<compile_context>
chip_gen: v7x
topology: tpu7x:2x2x1
jax: 0.10.2.dev20260603
libtpu: 0.0.44.dev20260713+nightly
codegen_flags: <defaults>
</compile_context>

<pallas_src>
import functools

import jax
import jax.numpy as jnp
from jax import lax
from jax.experimental import pallas as pl
from jax.experimental.pallas import tpu as pltpu
from jax.experimental.pallas import tpu_sc as plsc

GRID = 128
NOBJ = 100
NOBJ_P = 128
ANCHOR_W = 4.0
ANCHOR_H = 4.0
EMPTY_WEIGHT = 5.0


def _prep_body(tb_ref, idx_ref, tv_ref):
    tb = tb_ref[...]
    g = jnp.float32(GRID)
    t_x = tb[..., 0] * g
    t_y = tb[..., 1] * g
    gif = jnp.floor(t_x)
    gjf = jnp.floor(t_y)
    gii = gif.astype(jnp.int32)
    gjj = gjf.astype(jnp.int32)
    bsz = tb.shape[0]
    o = lax.broadcasted_iota(jnp.int32, (bsz, NOBJ_P), 1)
    b = lax.broadcasted_iota(jnp.int32, (bsz, NOBJ_P), 0)
    validm = o < NOBJ
    cell = jnp.where(validm, gjj * GRID + gii, -1 - o)
    eq = cell[:, :, None] == cell[:, None, :]
    later = (lax.broadcasted_iota(jnp.int32, (bsz, NOBJ_P, NOBJ_P), 2)
             > lax.broadcasted_iota(jnp.int32, (bsz, NOBJ_P, NOBJ_P), 1))
    dup = jnp.any(eq & later, axis=2)
    winner = jnp.where(validm & ~dup, 1.0, 0.0).astype(jnp.float32)

    idx_ref[...] = jnp.where(validm, b * (GRID * GRID) + cell, 0)

    tx = t_x - gif
    ty = t_y - gjf
    tz = tb[..., 2]
    tw = jnp.log(tb[..., 3] * g / ANCHOR_W + 1e-16)
    th = jnp.log(tb[..., 4] * g / ANCHOR_H + 1e-16)
    td = jnp.log(tb[..., 5] + 1e-16)
    sub = lax.bitwise_and(gii, 7).astype(jnp.float32)
    zero = jnp.zeros_like(tx)
    tv_ref[...] = jnp.stack(
        [tx, ty, tz, tw, th, td,
         t_x, t_y, tb[..., 3] * g, tb[..., 4] * g,
         gif, gjf, winner, sub, zero, zero], axis=-1)


def _run_prep(tb_pad):
    bsz = tb_pad.shape[0]
    return pl.pallas_call(
        _prep_body,
        out_shape=(
            jax.ShapeDtypeStruct((bsz, NOBJ_P), jnp.int32),
            jax.ShapeDtypeStruct((bsz, NOBJ_P, 16), jnp.float32),
        ),
    )(tb_pad)


def _sc_gather_body(b_per_w,
                    idx_hbm, kp_hbm, okp,
                    flat_v, kp_t, sem):
    wid = lax.axis_index("s") * 2 + lax.axis_index("c")
    base = wid * b_per_w
    pltpu.sync_copy(idx_hbm.at[pl.ds(base, b_per_w)], flat_v)
    pltpu.async_copy(kp_hbm.at[flat_v], kp_t, sem).wait()
    pltpu.sync_copy(kp_t, okp.at[pl.ds(base, b_per_w)])


def _run_gather(flat_idx, kp_tab):
    n = flat_idx.shape[0]
    d = kp_tab.shape[1]
    info = plsc.get_sparse_core_info()
    nw = info.num_cores * info.num_subcores
    b_per_w = n // nw
    mesh = plsc.VectorSubcoreMesh(core_axis_name="c", subcore_axis_name="s")
    kern = functools.partial(
        pl.kernel,
        mesh=mesh,
        out_type=jax.ShapeDtypeStruct((n, d), jnp.float32),
        scratch_types=[
            pltpu.VMEM((b_per_w,), jnp.int32),
            pltpu.VMEM((b_per_w, d), jnp.float32),
            pltpu.SemaphoreType.DMA,
        ],
    )(functools.partial(_sc_gather_body, b_per_w))
    return kern(flat_idx, kp_tab)


def _onehot_select(W_r, W_c, slab):
    rows = jnp.dot(W_r, slab, preferred_element_type=jnp.float32)
    return jnp.sum(rows * W_c, axis=1)


def _loss_body(nsteps, ntot,
               x_ref, y_ref, z_ref, wb_ref, hb_ref, d_ref, conf_ref,
               gkp_ref, tkp_ref, tv_blk_ref, tv_full_ref, out_ref, acc_ref):
    i = pl.program_id(0)

    @pl.when(i == 0)
    def _init():
        for k in range(6):
            acc_ref[k] = 0.0

    sp = jax.nn.softplus
    tvb = tv_blk_ref[...]
    nobj = tvb.shape[0]
    gif = tvb[:, 10]
    gjf = tvb[:, 11]
    w = tvb[:, 12]
    sub = tvb[:, 13]

    io_r = lax.broadcasted_iota(jnp.int32, (nobj, GRID), 1)
    W_r = jnp.where(gjf.astype(jnp.int32)[:, None] == io_r, 1.0, 0.0)
    W_c = jnp.where(gif.astype(jnp.int32)[:, None] == io_r, 1.0, 0.0)

    conf_slab = conf_ref[0]
    selx = _onehot_select(W_r, W_c, x_ref[0])
    sely = _onehot_select(W_r, W_c, y_ref[0])
    selz = _onehot_select(W_r, W_c, z_ref[0])
    selw = _onehot_select(W_r, W_c, wb_ref[0])
    selh = _onehot_select(W_r, W_c, hb_ref[0])
    seld = _onehot_select(W_r, W_c, d_ref[0])
    selc = _onehot_select(W_r, W_c, conf_slab)

    nkey = tkp_ref.shape[1]
    sel_kp = gkp_ref[...][:, :nkey]

    d_box = (jnp.abs(selx - tvb[:, 0]) + jnp.abs(sely - tvb[:, 1])
             + jnp.abs(selw - tvb[:, 3]) + jnp.abs(selh - tvb[:, 4])
             + jnp.abs(selz - tvb[:, 2]) + jnp.abs(seld - tvb[:, 5]))
    s_box = jnp.sum(d_box * w)
    s_kp = jnp.sum(jnp.sum(jnp.abs(sel_kp - tkp_ref[...]), axis=1) * w)
    s_n = jnp.sum(w)
    s_corr = jnp.sum(w * (EMPTY_WEIGHT * sp(-selc) - sp(selc)))
    s_base = jnp.sum(sp(conf_slab))

    px = selx + gif
    py = sely + gjf
    pw = jnp.exp(selw) * ANCHOR_W
    ph = jnp.exp(selh) * ANCHOR_H
    vP = w > 0
    px1 = jnp.where(vP, px - 0.5 * pw, 0.0)[:, None]
    px2 = jnp.where(vP, px + 0.5 * pw, 1.0)[:, None]
    py1 = jnp.where(vP, py - 0.5 * ph, 0.0)[:, None]
    py2 = jnp.where(vP, py + 0.5 * ph, 1.0)[:, None]
    areap = jnp.where(vP, pw * ph, 1.0)[:, None]
    wP = w[:, None]

    tvf = tv_full_ref[...]
    wT = tvf[:, 12]
    vT = wT > 0
    ttx, tty, ttw, tth = tvf[:, 6], tvf[:, 7], tvf[:, 8], tvf[:, 9]
    tx1 = jnp.where(vT, ttx - 0.5 * ttw, 0.0)[None, :]
    tx2 = jnp.where(vT, ttx + 0.5 * ttw, 1.0)[None, :]
    ty1 = jnp.where(vT, tty - 0.5 * tth, 0.0)[None, :]
    ty2 = jnp.where(vT, tty + 0.5 * tth, 1.0)[None, :]
    areat = jnp.where(vT, ttw * tth, 1.0)[None, :]
    wTr = wT[None, :]

    ix = jnp.maximum(jnp.minimum(px2, tx2) - jnp.maximum(px1, tx1), 0.0)
    iy = jnp.maximum(jnp.minimum(py2, ty2) - jnp.maximum(py1, ty1), 0.0)
    inter = ix * iy
    union = areap + areat - inter
    s_iou = jnp.sum((union - inter) / union * (wP * wTr))

    acc_ref[0] += s_box
    acc_ref[1] += s_kp
    acc_ref[2] += s_corr
    acc_ref[3] += s_base
    acc_ref[4] += s_iou
    acc_ref[5] += s_n

    @pl.when(i == nsteps - 1)
    def _fin():
        n = acc_ref[5]
        out_ref[...] = jnp.stack([
            acc_ref[0] / n,
            acc_ref[1] / n,
            (acc_ref[3] + acc_ref[2]) / jnp.float32(ntot),
            acc_ref[4] / n,
        ])


def _run_losses(slabs, conf3, gkp, tkp2d, tv2d):
    bsz, g, _ = conf3.shape
    nent = tv2d.shape[0]
    nkey = tkp2d.shape[1]
    nsteps = bsz
    ntot = bsz * g * g
    img = pl.BlockSpec((1, g, g), lambda i: (i, 0, 0))
    row = lambda i: (i, 0)
    return pl.pallas_call(
        functools.partial(_loss_body, nsteps, ntot),
        grid=(nsteps,),
        in_specs=[img] * 7 + [
            pl.BlockSpec((NOBJ_P, 128), row),
            pl.BlockSpec((NOBJ_P, nkey), row),
            pl.BlockSpec((NOBJ_P, 16), row),
            pl.BlockSpec((nent, 16), lambda i: (0, 0)),
        ],
        out_specs=pl.BlockSpec((4,), lambda i: (0,)),
        out_shape=jax.ShapeDtypeStruct((4,), jnp.float32),
        scratch_shapes=[pltpu.SMEM((8,), jnp.float32)],
    )(*slabs, conf3, gkp, tkp2d, tv2d, tv2d)


def kernel(pred_boxes, pred_confidence, pred_keypoints, target_boxes, target_keypoints):
    bsz, g = pred_boxes.shape[0], pred_boxes.shape[1]
    nkey = pred_keypoints.shape[-1]

    tb_pad = jnp.pad(target_boxes, ((0, 0), (0, NOBJ_P - NOBJ), (0, 0)))
    idx2d, tv = _run_prep(tb_pad)

    flat_idx = idx2d.reshape(bsz * NOBJ_P)
    kp_tab = jnp.pad(pred_keypoints.reshape(bsz * g * g, nkey),
                     ((0, 0), (0, 128 - nkey)))
    gkp = _run_gather(flat_idx, kp_tab)

    slabs = [pred_boxes[..., c] for c in range(6)]
    conf3 = pred_confidence.reshape(bsz, g, g)

    tkp_pad = jnp.pad(target_keypoints, ((0, 0), (0, NOBJ_P - NOBJ), (0, 0)))
    tkp2d = tkp_pad.reshape(bsz * NOBJ_P, nkey)
    tv2d = tv.reshape(bsz * NOBJ_P, 16)
    return _run_losses(slabs, conf3, gkp, tkp2d, tv2d)

# --- scband reference (transcript-rebuilt; emitter-appended) ---
"""Pipeline reference for scband-set-criterion-2-28140625724039 (READ-ONLY COPY).

The authoritative reference and input builder live on the scoring server;
editing this copy changes nothing except your own understanding.
"""

import jax, jax.numpy as jnp
import numpy as np

B, G, NOBJ, NKEY = 16, 128, 100, 63
ANCHOR = (4.0, 4.0)
EMPTY_WEIGHT = 5.0


def setup_inputs(seed: int = 0):
    key = jax.random.key(seed)
    k1, k2, k3, k4, k5 = jax.random.split(key, 5)
    return {
        "pred_boxes": jax.random.normal(k1, (B, G, G, 6), dtype=jnp.float32),
        "pred_confidence": jax.random.normal(k2, (B, G, G, 1), dtype=jnp.float32),
        "pred_keypoints": jax.random.normal(k3, (B, G, G, NKEY), dtype=jnp.float32),
        "target_boxes": jax.random.uniform(k4, (B, NOBJ, 6), dtype=jnp.float32),
        "target_keypoints": jax.random.uniform(k5, (B, NOBJ, NKEY), dtype=jnp.float32),
    }


def _get_targets(target_boxes, target_keypoints, grid):
    bsz, nobj = target_boxes.shape[0], target_boxes.shape[1]
    t_x = target_boxes[..., 0] * grid
    t_y = target_boxes[..., 1] * grid
    t_z = target_boxes[..., 2]
    t_w = target_boxes[..., 3] * grid
    t_h = target_boxes[..., 4] * grid
    t_d = target_boxes[..., 5]
    gi = jnp.floor(t_x).astype(jnp.int32)
    gj = jnp.floor(t_y).astype(jnp.int32)
    b = jnp.broadcast_to(jnp.arange(bsz)[:, None], (bsz, nobj))

    def scat(vals):
        return jnp.zeros((bsz, grid, grid), jnp.float32).at[b, gj, gi].set(vals)

    obj_mask = jnp.zeros((bsz, grid, grid), bool).at[b, gj, gi].set(True)
    out = {
        "obj_mask": obj_mask,
        "tx": scat(t_x - jnp.floor(t_x)),
        "ty": scat(t_y - jnp.floor(t_y)),
        "tz": scat(t_z),
        "tw": scat(jnp.log(t_w / ANCHOR[0] + 1e-16)),
        "th": scat(jnp.log(t_h / ANCHOR[1] + 1e-16)),
        "td": scat(jnp.log(t_d + 1e-16)),
        "tmp_tx": scat(t_x),
        "tmp_ty": scat(t_y),
        "tmp_tw": scat(t_w),
        "tmp_th": scat(t_h),
        "tkey": jnp.zeros((bsz, grid, grid, target_keypoints.shape[-1]), jnp.float32).at[b, gj, gi].set(target_keypoints),
        "t_conf": obj_mask.astype(jnp.float32),
    }
    return out


def _box_cxcywh_to_xyxy(bx):
    cx, cy, w, h = bx[:, 0], bx[:, 1], bx[:, 2], bx[:, 3]
    return jnp.stack([cx - 0.5 * w, cy - 0.5 * h, cx + 0.5 * w, cy + 0.5 * h], axis=1)


def _box_iou(b1, b2):
    area1 = (b1[:, 2] - b1[:, 0]) * (b1[:, 3] - b1[:, 1])
    area2 = (b2[:, 2] - b2[:, 0]) * (b2[:, 3] - b2[:, 1])
    lt = jnp.maximum(b1[:, None, :2], b2[None, :, :2])
    rb = jnp.minimum(b1[:, None, 2:], b2[None, :, 2:])
    wh = jnp.clip(rb - lt, 0.0, None)
    inter = wh[..., 0] * wh[..., 1]
    union = area1[:, None] + area2[None, :] - inter
    return inter / union


def _losses(pred_boxes, pred_confidence, pred_keypoints, tg, bi, ji, ii, valid, grid):
    x = pred_boxes[..., 0]; y = pred_boxes[..., 1]; z = pred_boxes[..., 2]
    w = pred_boxes[..., 3]; h = pred_boxes[..., 4]; d = pred_boxes[..., 5]
    px = x + jnp.arange(grid, dtype=jnp.float32)[None, None, :]
    py = y + jnp.arange(grid, dtype=jnp.float32)[None, :, None]
    pw = jnp.exp(w) * ANCHOR[0]
    ph = jnp.exp(h) * ANCHOR[1]
    sel = lambda a: a[bi, ji, ii]
    vf = valid.astype(jnp.float32)
    n = jnp.sum(vf)
    l1 = lambda p, t: jnp.sum(jnp.abs(sel(p) - sel(t)) * vf) / n
    loss_boxes = (l1(x, tg["tx"]) + l1(y, tg["ty"]) + l1(w, tg["tw"]) + l1(h, tg["th"]) + l1(z, tg["tz"]) + l1(d, tg["td"]))
    conf = pred_confidence[..., 0]
    t_conf = tg["t_conf"]
    bce = EMPTY_WEIGHT * t_conf * jax.nn.softplus(-conf) + (1.0 - t_conf) * jax.nn.softplus(conf)
    loss_conf = jnp.mean(bce)
    loss_keypoints = jnp.sum(jnp.abs(sel(pred_keypoints) - sel(tg["tkey"])) * vf[:, None]) / n
    pbox = jnp.stack([sel(px), sel(py), sel(pw), sel(ph)], axis=1)
    tbox = jnp.stack([sel(tg["tmp_tx"]), sel(tg["tmp_ty"]), sel(tg["tmp_tw"]), sel(tg["tmp_th"])], axis=1)
    iou = _box_iou(_box_cxcywh_to_xyxy(pbox), _box_cxcywh_to_xyxy(tbox))
    pair = vf[:, None] * vf[None, :]
    loss_iou = jnp.sum((1.0 - iou) * pair) / n
    return jnp.stack([loss_boxes, loss_keypoints, loss_conf, loss_iou])


def reference(pred_boxes, pred_confidence, pred_keypoints, target_boxes, target_keypoints):
    grid = pred_boxes.shape[1]
    tg = _get_targets(target_boxes, target_keypoints, grid)
    cap = target_boxes.shape[0] * target_boxes.shape[1]
    bi, ji, ii = jnp.nonzero(tg["obj_mask"], size=cap, fill_value=0)
    valid = jnp.arange(cap) < jnp.sum(tg["obj_mask"])
    return _losses(pred_boxes, pred_confidence, pred_keypoints, tg, bi, ji, ii, valid, grid)

if __name__ == "__main__":
    import jax
    _d = setup_inputs()
    print(jax.jit(kernel)(*tuple(_d.values())))

</pallas_src>

<mosaic_0001>
#map = affine_map<(d0, d1) -> (0)>
#map1 = affine_map<(d0, d1) -> (0, 0)>
module attributes {stable_mosaic.version = 14 : i64} {
  func.func @_sc_gather_body(%arg0: i32, %arg1: i32, %arg2: memref<2048xi32, #tpu.memory_space<hbm>>, %arg3: memref<262144x128xf32, #tpu.memory_space<hbm>>, %arg4: memref<2048x128xf32, #tpu.memory_space<hbm>>, %arg5: memref<64xi32, #tpu.memory_space<vmem>>, %arg6: memref<64x128xf32, #tpu.memory_space<vmem>>, %arg7: memref<!tpu.dma_semaphore, #tpu.memory_space<semaphore_mem>>) attributes {dimension_semantics = [#tpu.dimension_semantics<core_parallel>, #tpu.dimension_semantics<subcore_parallel>], iteration_bounds = array<i64: 2, 16>, scalar_prefetch = 0 : i64, scratch_operands = 3 : i64, tpu.core_type = #tpu.core_type<sc_vector_subcore>, window_params = [{transform_indices = #map}, {transform_indices = #map1}, {transform_indices = #map1}]} {
    %mul3A = arith.constant 2 : i32
    %mul3A_0 = arith.muli %arg1, %mul3A : i32
    %add3A = arith.addi %mul3A_0, %arg0 : i32
    %mul3A_1 = arith.constant 64 : i32
    %mul3A_2 = arith.muli %add3A, %mul3A_1 : i32
    "tpu.region"() ({
      %run_scoped3A = tpu.sem_alloc : memref<!tpu.dma_semaphore, #tpu.memory_space<semaphore_mem>>
      %dma_start3A_7 = tpu.memref_slice %arg2[%mul3A_2] : memref<2048xi32, #tpu.memory_space<hbm>> -> memref<64xi32, #tpu.memory_space<hbm>>
      %dma_start3A_8 = tpu.memref_slice %arg2[%mul3A_2] : memref<2048xi32, #tpu.memory_space<hbm>> -> memref<64xi32, #tpu.memory_space<hbm>>
      tpu.enqueue_dma source(%dma_start3A_8 : memref<64xi32, #tpu.memory_space<hbm>>) target(%arg5 : memref<64xi32, #tpu.memory_space<vmem>>) target_semaphore(%run_scoped3A : memref<!tpu.dma_semaphore, #tpu.memory_space<semaphore_mem>>)
      %dma_wait3A_9 = tpu.memref_slice %arg2[%mul3A_2] : memref<2048xi32, #tpu.memory_space<hbm>> -> memref<64xi32, #tpu.memory_space<hbm>>
      %dma_wait3A_10 = tpu.memref_slice %arg2[%mul3A_2] : memref<2048xi32, #tpu.memory_space<hbm>> -> memref<64xi32, #tpu.memory_space<hbm>>
      tpu.wait_dma2 semaphore(%run_scoped3A : memref<!tpu.dma_semaphore, #tpu.memory_space<semaphore_mem>>) src(%dma_wait3A_10 : memref<64xi32, #tpu.memory_space<hbm>>) dst(%arg5 : memref<64xi32, #tpu.memory_space<vmem>>)
      tpu.yield
    }) : () -> ()
    %dma_start3A = arith.constant 0 : i32
    %dma_start3A_3 = arith.constant 0 : i32
    %dma_start3A_4 = tpu.memref_slice %arg3[%dma_start3A, %dma_start3A_3] : memref<262144x128xf32, #tpu.memory_space<hbm>> -> memref<262144x128xf32, #tpu.memory_space<hbm>>
    tpu.enqueue_indirect_dma source(%dma_start3A_4 : memref<262144x128xf32, #tpu.memory_space<hbm>>) target(%arg6 : memref<64x128xf32, #tpu.memory_space<vmem>>) offsets(%arg5 : memref<64xi32, #tpu.memory_space<vmem>>) semaphore(%arg7 : memref<!tpu.dma_semaphore, #tpu.memory_space<semaphore_mem>>)
    %dma_wait3A = arith.constant 0 : i32
    %dma_wait3A_5 = arith.constant 0 : i32
    %dma_wait3A_6 = tpu.memref_slice %arg3[%dma_wait3A, %dma_wait3A_5] : memref<262144x128xf32, #tpu.memory_space<hbm>> -> memref<262144x128xf32, #tpu.memory_space<hbm>>
    tpu.wait_indirect_dma semaphore(%arg7 : memref<!tpu.dma_semaphore, #tpu.memory_space<semaphore_mem>>) src(%dma_wait3A_6 : memref<262144x128xf32, #tpu.memory_space<hbm>>) dst(%arg6 : memref<64x128xf32, #tpu.memory_space<vmem>>)
    "tpu.region"() ({
      %run_scoped3A = tpu.sem_alloc : memref<!tpu.dma_semaphore, #tpu.memory_space<semaphore_mem>>
      %dma_start3A_7 = arith.constant 0 : i32
      %dma_start3A_8 = tpu.memref_slice %arg4[%mul3A_2, %dma_start3A_7] : memref<2048x128xf32, #tpu.memory_space<hbm>> -> memref<64x128xf32, #tpu.memory_space<hbm>>
      %dma_start3A_9 = arith.constant 0 : i32
      %dma_start3A_10 = tpu.memref_slice %arg4[%mul3A_2, %dma_start3A_9] : memref<2048x128xf32, #tpu.memory_space<hbm>> -> memref<64x128xf32, #tpu.memory_space<hbm>>
      tpu.enqueue_dma source(%arg6 : memref<64x128xf32, #tpu.memory_space<vmem>>) target(%dma_start3A_10 : memref<64x128xf32, #tpu.memory_space<hbm>>) target_semaphore(%run_scoped3A : memref<!tpu.dma_semaphore, #tpu.memory_space<semaphore_mem>>)
      %dma_wait3A_11 = arith.constant 0 : i32
      %dma_wait3A_12 = tpu.memref_slice %arg4[%mul3A_2, %dma_wait3A_11] : memref<2048x128xf32, #tpu.memory_space<hbm>> -> memref<64x128xf32, #tpu.memory_space<hbm>>
      %dma_wait3A_13 = arith.constant 0 : i32
      %dma_wait3A_14 = tpu.memref_slice %arg4[%mul3A_2, %dma_wait3A_13] : memref<2048x128xf32, #tpu.memory_space<hbm>> -> memref<64x128xf32, #tpu.memory_space<hbm>>
      tpu.wait_dma2 semaphore(%run_scoped3A : memref<!tpu.dma_semaphore, #tpu.memory_space<semaphore_mem>>) src(%arg6 : memref<64x128xf32, #tpu.memory_space<vmem>>) dst(%dma_wait3A_14 : memref<64x128xf32, #tpu.memory_space<hbm>>)
      tpu.yield
    }) : () -> ()
    return
  }
}

module attributes {stable_mosaic.version = 14 : i64} {
  func.func @_prep_body(%arg0: memref<16x128x6xf32, #tpu.memory_space<vmem>>, %arg1: memref<16x128xi32, #tpu.memory_space<vmem>>, %arg2: memref<16x128x16xf32, #tpu.memory_space<vmem>>) attributes {dimension_semantics = [], scalar_prefetch = 0 : i64, scratch_operands = 0 : i64, tpu.core_type = #tpu.core_type<tc>} {
    %get3A = arith.constant 0 : index
    %get3A_0 = arith.constant 0 : index
    %get3A_1 = arith.constant 0 : index
    %get3A_2 = vector.load %arg0[%get3A, %get3A_0, %get3A_1] : memref<16x128x6xf32, #tpu.memory_space<vmem>>, vector<16x128x6xf32>
    %slice3A = vector.extract_strided_slice %get3A_2 {offsets = [0, 0, 0], sizes = [16, 128, 1], strides = [1, 1, 1]} : vector<16x128x6xf32> to vector<16x128x1xf32>
    %squeeze3A = vector.shape_cast %slice3A : vector<16x128x1xf32> to vector<16x128xf32>
    %mul3A = arith.constant 1.280000e+02 : f32
    %mul3A_3 = vector.broadcast %mul3A : f32 to vector<16x128xf32>
    %mul3A_4 = arith.mulf %squeeze3A, %mul3A_3 : vector<16x128xf32>
    %slice3A_5 = vector.extract_strided_slice %get3A_2 {offsets = [0, 0, 1], sizes = [16, 128, 1], strides = [1, 1, 1]} : vector<16x128x6xf32> to vector<16x128x1xf32>
    %squeeze3A_6 = vector.shape_cast %slice3A_5 : vector<16x128x1xf32> to vector<16x128xf32>
    %mul3A_7 = arith.constant 1.280000e+02 : f32
    %mul3A_8 = vector.broadcast %mul3A_7 : f32 to vector<16x128xf32>
    %mul3A_9 = arith.mulf %squeeze3A_6, %mul3A_8 : vector<16x128xf32>
    %floor3A = math.floor %mul3A_4 : vector<16x128xf32>
    %floor3A_10 = math.floor %mul3A_9 : vector<16x128xf32>
    %convert_element_type3A = arith.fptosi %floor3A : vector<16x128xf32> to vector<16x128xi32>
    %convert_element_type3A_11 = arith.fptosi %floor3A_10 : vector<16x128xf32> to vector<16x128xi32>
    %iota3A = tpu.iota {dimensions = array<i32: 1>} : vector<16x128xi32>
    %iota3A_12 = tpu.iota {dimensions = array<i32: 0>} : vector<16x128xi32>
    %lt3A = arith.constant 100 : i32
    %lt3A_13 = vector.broadcast %lt3A : i32 to vector<16x128xi32>
    %lt3A_14 = arith.cmpi slt, %iota3A, %lt3A_13 : vector<16x128xi32>
    %mul3A_15 = arith.constant 128 : i32
    %mul3A_16 = vector.broadcast %mul3A_15 : i32 to vector<16x128xi32>
    %mul3A_17 = arith.muli %convert_element_type3A_11, %mul3A_16 : vector<16x128xi32>
    %add3A = arith.addi %mul3A_17, %convert_element_type3A : vector<16x128xi32>
    %sub3A = arith.constant -1 : i32
    %sub3A_18 = vector.broadcast %sub3A : i32 to vector<16x128xi32>
    %sub3A_19 = arith.subi %sub3A_18, %iota3A : vector<16x128xi32>
    %select_n3A = arith.select %lt3A_14, %add3A, %sub3A_19 : vector<16x128xi1>, vector<16x128xi32>
    %broadcast_in_dim3A = vector.shape_cast %select_n3A : vector<16x128xi32> to vector<16x128x1xi32>
    %broadcast_in_dim3A_20 = vector.shape_cast %select_n3A : vector<16x128xi32> to vector<16x1x128xi32>
    %eq3A = vector.broadcast %broadcast_in_dim3A : vector<16x128x1xi32> to vector<16x128x128xi32>
    %eq3A_21 = vector.broadcast %broadcast_in_dim3A_20 : vector<16x1x128xi32> to vector<16x128x128xi32>
    %eq3A_22 = arith.cmpi eq, %eq3A, %eq3A_21 : vector<16x128x128xi32>
    %iota3A_23 = tpu.iota {dimensions = array<i32: 2>} : vector<16x128x128xi32>
    %iota3A_24 = tpu.iota {dimensions = array<i32: 1>} : vector<16x128x128xi32>
    %gt3A = arith.cmpi sgt, %iota3A_23, %iota3A_24 : vector<16x128x128xi32>
    %and3A = arith.andi %eq3A_22, %gt3A : vector<16x128x128xi1>
    %reduce_or3A = arith.constant 1.000000e+00 : f32
    %reduce_or3A_25 = arith.constant 0.000000e+00 : f32
    %reduce_or3A_26 = vector.broadcast %reduce_or3A : f32 to vector<16x128x128xf32>
    %reduce_or3A_27 = vector.broadcast %reduce_or3A_25 : f32 to vector<16x128x128xf32>
    %reduce_or3A_28 = arith.select %and3A, %reduce_or3A_26, %reduce_or3A_27 : vector<16x128x128xi1>, vector<16x128x128xf32>
    %reduce_or3A_29 = arith.constant dense<0xFF800000> : vector<16x128xf32>
    %reduce_or3A_30 = vector.multi_reduction <maximumf>, %reduce_or3A_28, %reduce_or3A_29 [2] : vector<16x128x128xf32> to vector<16x128xf32>
    %reduce_or3A_31 = arith.constant 0.000000e+00 : f32
    %reduce_or3A_32 = vector.broadcast %reduce_or3A_31 : f32 to vector<16x128xf32>
    %reduce_or3A_33 = arith.cmpf ogt, %reduce_or3A_30, %reduce_or3A_32 : vector<16x128xf32>
    %not3A = arith.constant dense<true> : vector<16x128xi1>
    %not3A_34 = arith.xori %reduce_or3A_33, %not3A : vector<16x128xi1>
    %and3A_35 = arith.andi %lt3A_14, %not3A_34 : vector<16x128xi1>
    %jit3A = arith.constant 1.000000e+00 : f32
    %jit3A_36 = arith.constant 0.000000e+00 : f32
    %broadcast_in_dim3A_37 = vector.broadcast %jit3A : f32 to vector<16x128xf32>
    %broadcast_in_dim3A_38 = vector.broadcast %jit3A_36 : f32 to vector<16x128xf32>
    %select_n3A_39 = arith.select %and3A_35, %broadcast_in_dim3A_37, %broadcast_in_dim3A_38 : vector<16x128xi1>, vector<16x128xf32>
    %mul3A_40 = arith.constant 16384 : i32
    %mul3A_41 = vector.broadcast %mul3A_40 : i32 to vector<16x128xi32>
    %mul3A_42 = arith.muli %iota3A_12, %mul3A_41 : vector<16x128xi32>
    %add3A_43 = arith.addi %mul3A_42, %select_n3A : vector<16x128xi32>
    %jit3A_44 = arith.constant 0 : i32
    %broadcast_in_dim3A_45 = vector.broadcast %jit3A_44 : i32 to vector<16x128xi32>
    %select_n3A_46 = arith.select %lt3A_14, %add3A_43, %broadcast_in_dim3A_45 : vector<16x128xi1>, vector<16x128xi32>
    %swap3A = arith.constant 0 : index
    %swap3A_47 = arith.constant 0 : index
    %swap3A_48 = vector.load %arg1[%swap3A, %swap3A_47] : memref<16x128xi32, #tpu.memory_space<vmem>>, vector<16x128xi32>
    tpu.vector_store %arg1[%swap3A, %swap3A_47], %select_n3A_46 {strides = array<i32>} : memref<16x128xi32, #tpu.memory_space<vmem>>, vector<16x128xi32>,
    %sub3A_49 = arith.subf %mul3A_4, %floor3A : vector<16x128xf32>
    %sub3A_50 = arith.subf %mul3A_9, %floor3A_10 : vector<16x128xf32>
    %slice3A_51 = vector.extract_strided_slice %get3A_2 {offsets = [0, 0, 2], sizes = [16, 128, 1], strides = [1, 1, 1]} : vector<16x128x6xf32> to vector<16x128x1xf32>
    %squeeze3A_52 = vector.shape_cast %slice3A_51 : vector<16x128x1xf32> to vector<16x128xf32>
    %slice3A_53 = vector.extract_strided_slice %get3A_2 {offsets = [0, 0, 3], sizes = [16, 128, 1], strides = [1, 1, 1]} : vector<16x128x6xf32> to vector<16x128x1xf32>
    %squeeze3A_54 = vector.shape_cast %slice3A_53 : vector<16x128x1xf32> to vector<16x128xf32>
    %mul3A_55 = arith.constant 1.280000e+02 : f32
    %mul3A_56 = vector.broadcast %mul3A_55 : f32 to vector<16x128xf32>
    %mul3A_57 = arith.mulf %squeeze3A_54, %mul3A_56 : vector<16x128xf32>
    %div3A = arith.constant 4.000000e+00 : f32
    %div3A_58 = vector.broadcast %div3A : f32 to vector<16x128xf32>
    %div3A_59 = arith.divf %mul3A_57, %div3A_58 : vector<16x128xf32>
    %add3A_60 = arith.constant 1.000000e-16 : f32
    %add3A_61 = vector.broadcast %add3A_60 : f32 to vector<16x128xf32>
    %add3A_62 = arith.addf %div3A_59, %add3A_61 : vector<16x128xf32>
    %log3A = math.log %add3A_62 : vector<16x128xf32>
    %slice3A_63 = vector.extract_strided_slice %get3A_2 {offsets = [0, 0, 4], sizes = [16, 128, 1], strides = [1, 1, 1]} : vector<16x128x6xf32> to vector<16x128x1xf32>
    %squeeze3A_64 = vector.shape_cast %slice3A_63 : vector<16x128x1xf32> to vector<16x128xf32>
    %mul3A_65 = arith.constant 1.280000e+02 : f32
    %mul3A_66 = vector.broadcast %mul3A_65 : f32 to vector<16x128xf32>
    %mul3A_67 = arith.mulf %squeeze3A_64, %mul3A_66 : vector<16x128xf32>
    %div3A_68 = arith.constant 4.000000e+00 : f32
    %div3A_69 = vector.broadcast %div3A_68 : f32 to vector<16x128xf32>
    %div3A_70 = arith.divf %mul3A_67, %div3A_69 : vector<16x128xf32>
    %add3A_71 = arith.constant 1.000000e-16 : f32
    %add3A_72 = vector.broadcast %add3A_71 : f32 to vector<16x128xf32>
    %add3A_73 = arith.addf %div3A_70, %add3A_72 : vector<16x128xf32>
    %log3A_74 = math.log %add3A_73 : vector<16x128xf32>
    %slice3A_75 = vector.extract_strided_slice %get3A_2 {offsets = [0, 0, 5], sizes = [16, 128, 1], strides = [1, 1, 1]} : vector<16x128x6xf32> to vector<16x128x1xf32>
    %squeeze3A_76 = vector.shape_cast %slice3A_75 : vector<16x128x1xf32> to vector<16x128xf32>
    %add3A_77 = arith.constant 1.000000e-16 : f32
    %add3A_78 = vector.broadcast %add3A_77 : f32 to vector<16x128xf32>
    %add3A_79 = arith.addf %squeeze3A_76, %add3A_78 : vector<16x128xf32>
    %log3A_80 = math.log %add3A_79 : vector<16x128xf32>
    %and3A_81 = arith.constant 7 : i32
    %and3A_82 = vector.broadcast %and3A_81 : i32 to vector<16x128xi32>
    %and3A_83 = arith.andi %convert_element_type3A, %and3A_82 : vector<16x128xi32>
    %convert_element_type3A_84 = arith.sitofp %and3A_83 : vector<16x128xi32> to vector<16x128xf32>
    %broadcast_in_dim3A_85 = arith.constant 0.000000e+00 : f32
    %broadcast_in_dim3A_86 = vector.broadcast %broadcast_in_dim3A_85 : f32 to vector<16x128xf32>
    %slice3A_87 = vector.extract_strided_slice %get3A_2 {offsets = [0, 0, 3], sizes = [16, 128, 1], strides = [1, 1, 1]} : vector<16x128x6xf32> to vector<16x128x1xf32>
    %squeeze3A_88 = vector.shape_cast %slice3A_87 : vector<16x128x1xf32> to vector<16x128xf32>
    %mul3A_89 = arith.constant 1.280000e+02 : f32
    %mul3A_90 = vector.broadcast %mul3A_89 : f32 to vector<16x128xf32>
    %mul3A_91 = arith.mulf %squeeze3A_88, %mul3A_90 : vector<16x128xf32>
    %slice3A_92 = vector.extract_strided_slice %get3A_2 {offsets = [0, 0, 4], sizes = [16, 128, 1], strides = [1, 1, 1]} : vector<16x128x6xf32> to vector<16x128x1xf32>
    %squeeze3A_93 = vector.shape_cast %slice3A_92 : vector<16x128x1xf32> to vector<16x128xf32>
    %mul3A_94 = arith.constant 1.280000e+02 : f32
    %mul3A_95 = vector.broadcast %mul3A_94 : f32 to vector<16x128xf32>
    %mul3A_96 = arith.mulf %squeeze3A_93, %mul3A_95 : vector<16x128xf32>
    %stack3A = vector.shape_cast %sub3A_49 : vector<16x128xf32> to vector<16x128x1xf32>
    %stack3A_97 = vector.shape_cast %sub3A_50 : vector<16x128xf32> to vector<16x128x1xf32>
    %stack3A_98 = vector.shape_cast %squeeze3A_52 : vector<16x128xf32> to vector<16x128x1xf32>
    %stack3A_99 = vector.shape_cast %log3A : vector<16x128xf32> to vector<16x128x1xf32>
    %stack3A_100 = vector.shape_cast %log3A_74 : vector<16x128xf32> to vector<16x128x1xf32>
    %stack3A_101 = vector.shape_cast %log3A_80 : vector<16x128xf32> to vector<16x128x1xf32>
    %stack3A_102 = vector.shape_cast %mul3A_4 : vector<16x128xf32> to vector<16x128x1xf32>
    %stack3A_103 = vector.shape_cast %mul3A_9 : vector<16x128xf32> to vector<16x128x1xf32>
    %stack3A_104 = vector.shape_cast %mul3A_91 : vector<16x128xf32> to vector<16x128x1xf32>
    %stack3A_105 = vector.shape_cast %mul3A_96 : vector<16x128xf32> to vector<16x128x1xf32>
    %stack3A_106 = vector.shape_cast %floor3A : vector<16x128xf32> to vector<16x128x1xf32>
    %stack3A_107 = vector.shape_cast %floor3A_10 : vector<16x128xf32> to vector<16x128x1xf32>
    %stack3A_108 = vector.shape_cast %select_n3A_39 : vector<16x128xf32> to vector<16x128x1xf32>
    %stack3A_109 = vector.shape_cast %convert_element_type3A_84 : vector<16x128xf32> to vector<16x128x1xf32>
    %stack3A_110 = vector.shape_cast %broadcast_in_dim3A_86 : vector<16x128xf32> to vector<16x128x1xf32>
    %stack3A_111 = vector.shape_cast %broadcast_in_dim3A_86 : vector<16x128xf32> to vector<16x128x1xf32>
    %stack3A_112 = tpu.concatenate %stack3A, %stack3A_97, %stack3A_98, %stack3A_99, %stack3A_100, %stack3A_101, %stack3A_102, %stack3A_103, %stack3A_104, %stack3A_105, %stack3A_106, %stack3A_107, %stack3A_108, %stack3A_109, %stack3A_110, %stack3A_111 in 2 : vector<16x128x1xf32>, vector<16x128x1xf32>, vector<16x128x1xf32>, vector<16x128x1xf32>, vector<16x128x1xf32>, vector<16x128x1xf32>, vector<16x128x1xf32>, vector<16x128x1xf32>, vector<16x128x1xf32>, vector<16x128x1xf32>, vector<16x128x1xf32>, vector<16x128x1xf32>, vector<16x128x1xf32>, vector<16x128x1xf32>, vector<16x128x1xf32>, vector<16x128x1xf32> -> vector<16x128x16xf32>
    %swap3A_113 = arith.constant 0 : index
    %swap3A_114 = arith.constant 0 : index
    %swap3A_115 = arith.constant 0 : index
    %swap3A_116 = vector.load %arg2[%swap3A_113, %swap3A_114, %swap3A_115] : memref<16x128x16xf32, #tpu.memory_space<vmem>>, vector<16x128x16xf32>
    tpu.vector_store %arg2[%swap3A_113, %swap3A_114, %swap3A_115], %stack3A_112 {strides = array<i32>} : memref<16x128x16xf32, #tpu.memory_space<vmem>>, vector<16x128x16xf32>,
    return
  }
}

module attributes {stable_mosaic.version = 14 : i64} {
  func.func @_loss_body(%arg0: i32, %arg1: memref<1x128x128xf32, #tpu.memory_space<vmem>>, %arg2: memref<1x128x128xf32, #tpu.memory_space<vmem>>, %arg3: memref<1x128x128xf32, #tpu.memory_space<vmem>>, %arg4: memref<1x128x128xf32, #tpu.memory_space<vmem>>, %arg5: memref<1x128x128xf32, #tpu.memory_space<vmem>>, %arg6: memref<1x128x128xf32, #tpu.memory_space<vmem>>, %arg7: memref<1x128x128xf32, #tpu.memory_space<vmem>>, %arg8: memref<128x128xf32, #tpu.memory_space<vmem>>, %arg9: memref<128x63xf32, #tpu.memory_space<vmem>>, %arg10: memref<128x16xf32, #tpu.memory_space<vmem>>, %arg11: memref<2048x16xf32, #tpu.memory_space<vmem>>, %arg12: memref<4xf32, #tpu.memory_space<vmem>>, %arg13: memref<8xf32, #tpu.memory_space<smem>>) attributes {dimension_semantics = [#tpu.dimension_semantics<arbitrary>], iteration_bounds = array<i64: 16>, scalar_prefetch = 0 : i64, scratch_operands = 1 : i64, tpu.core_type = #tpu.core_type<tc>, window_params = [{transform_indices = @transform_0, window_bounds = array<i64: 1, 128, 128>}, {transform_indices = @transform_1, window_bounds = array<i64: 1, 128, 128>}, {transform_indices = @transform_2, window_bounds = array<i64: 1, 128, 128>}, {transform_indices = @transform_3, window_bounds = array<i64: 1, 128, 128>}, {transform_indices = @transform_4, window_bounds = array<i64: 1, 128, 128>}, {transform_indices = @transform_5, window_bounds = array<i64: 1, 128, 128>}, {transform_indices = @transform_6, window_bounds = array<i64: 1, 128, 128>}, {transform_indices = @transform_7, window_bounds = array<i64: 128, 128>}, {transform_indices = @transform_8, window_bounds = array<i64: 128, 63>}, {transform_indices = @transform_9, window_bounds = array<i64: 128, 16>}, {pipeline_mode = #tpu.pipeline_mode<synchronous>, transform_indices = @transform_10, window_bounds = array<i64: 2048, 16>}, {pipeline_mode = #tpu.pipeline_mode<synchronous>, transform_indices = @transform_11, window_bounds = array<i64: 4>}]} {
    %eq3A = arith.constant 0 : i32
    %eq3A_0 = arith.cmpi eq, %arg0, %eq3A : i32
    %convert_element_type3A = arith.extui %eq3A_0 : i1 to i32
    %cond3A = arith.constant 0 : i32
    %cond3A_1 = arith.cmpi ne, %convert_element_type3A, %cond3A : i32
    scf.if %cond3A_1 {
      %swap3A_376 = arith.constant 0.000000e+00 : f32
      %swap3A_377 = arith.constant 0 : index
      %swap3A_378 = memref.load %arg13[%swap3A_377] : memref<8xf32, #tpu.memory_space<smem>>
      memref.store %swap3A_376, %arg13[%swap3A_377] : memref<8xf32, #tpu.memory_space<smem>>
      %swap3A_379 = arith.constant 0.000000e+00 : f32
      %swap3A_380 = arith.constant 1 : index
      %swap3A_381 = memref.load %arg13[%swap3A_380] : memref<8xf32, #tpu.memory_space<smem>>
      memref.store %swap3A_379, %arg13[%swap3A_380] : memref<8xf32, #tpu.memory_space<smem>>
      %swap3A_382 = arith.constant 0.000000e+00 : f32
      %swap3A_383 = arith.constant 2 : index
      %swap3A_384 = memref.load %arg13[%swap3A_383] : memref<8xf32, #tpu.memory_space<smem>>
      memref.store %swap3A_382, %arg13[%swap3A_383] : memref<8xf32, #tpu.memory_space<smem>>
      %swap3A_385 = arith.constant 0.000000e+00 : f32
      %swap3A_386 = arith.constant 3 : index
      %swap3A_387 = memref.load %arg13[%swap3A_386] : memref<8xf32, #tpu.memory_space<smem>>
      memref.store %swap3A_385, %arg13[%swap3A_386] : memref<8xf32, #tpu.memory_space<smem>>
      %swap3A_388 = arith.constant 0.000000e+00 : f32
      %swap3A_389 = arith.constant 4 : index
      %swap3A_390 = memref.load %arg13[%swap3A_389] : memref<8xf32, #tpu.memory_space<smem>>
      memref.store %swap3A_388, %arg13[%swap3A_389] : memref<8xf32, #tpu.memory_space<smem>>
      %swap3A_391 = arith.constant 0.000000e+00 : f32
      %swap3A_392 = arith.constant 5 : index
      %swap3A_393 = memref.load %arg13[%swap3A_392] : memref<8xf32, #tpu.memory_space<smem>>
      memref.store %swap3A_391, %arg13[%swap3A_392] : memref<8xf32, #tpu.memory_space<smem>>
    } else {
    }
    %get3A = arith.constant 0 : index
    %get3A_2 = arith.constant 0 : index
    %get3A_3 = vector.load %arg10[%get3A, %get3A_2] : memref<128x16xf32, #tpu.memory_space<vmem>>, vector<128x16xf32>
    %slice3A = vector.extract_strided_slice %get3A_3 {offsets = [0, 10], sizes = [128, 1], strides = [1, 1]} : vector<128x16xf32> to vector<128x1xf32>
    %squeeze3A = vector.shape_cast %slice3A : vector<128x1xf32> to vector<128xf32>
    %slice3A_4 = vector.extract_strided_slice %get3A_3 {offsets = [0, 11], sizes = [128, 1], strides = [1, 1]} : vector<128x16xf32> to vector<128x1xf32>
    %squeeze3A_5 = vector.shape_cast %slice3A_4 : vector<128x1xf32> to vector<128xf32>
    %slice3A_6 = vector.extract_strided_slice %get3A_3 {offsets = [0, 12], sizes = [128, 1], strides = [1, 1]} : vector<128x16xf32> to vector<128x1xf32>
    %squeeze3A_7 = vector.shape_cast %slice3A_6 : vector<128x1xf32> to vector<128xf32>
    %iota3A = tpu.iota {dimensions = array<i32: 1>} : vector<128x128xi32>
    %convert_element_type3A_8 = arith.fptosi %squeeze3A_5 : vector<128xf32> to vector<128xi32>
    %broadcast_in_dim3A = vector.shape_cast %convert_element_type3A_8 : vector<128xi32> to vector<128x1xi32>
    %eq3A_9 = vector.broadcast %broadcast_in_dim3A : vector<128x1xi32> to vector<128x128xi32>
    %eq3A_10 = arith.cmpi eq, %eq3A_9, %iota3A : vector<128x128xi32>
    %jit3A = arith.constant 1.000000e+00 : f32
    %jit3A_11 = arith.constant 0.000000e+00 : f32
    %broadcast_in_dim3A_12 = vector.broadcast %jit3A : f32 to vector<128x128xf32>
    %broadcast_in_dim3A_13 = vector.broadcast %jit3A_11 : f32 to vector<128x128xf32>
    %select_n3A = arith.select %eq3A_10, %broadcast_in_dim3A_12, %broadcast_in_dim3A_13 : vector<128x128xi1>, vector<128x128xf32>
    %convert_element_type3A_14 = arith.fptosi %squeeze3A : vector<128xf32> to vector<128xi32>
    %broadcast_in_dim3A_15 = vector.shape_cast %convert_element_type3A_14 : vector<128xi32> to vector<128x1xi32>
    %eq3A_16 = vector.broadcast %broadcast_in_dim3A_15 : vector<128x1xi32> to vector<128x128xi32>
    %eq3A_17 = arith.cmpi eq, %eq3A_16, %iota3A : vector<128x128xi32>
    %jit3A_18 = arith.constant 1.000000e+00 : f32
    %jit3A_19 = arith.constant 0.000000e+00 : f32
    %broadcast_in_dim3A_20 = vector.broadcast %jit3A_18 : f32 to vector<128x128xf32>
    %broadcast_in_dim3A_21 = vector.broadcast %jit3A_19 : f32 to vector<128x128xf32>
    %select_n3A_22 = arith.select %eq3A_17, %broadcast_in_dim3A_20, %broadcast_in_dim3A_21 : vector<128x128xi1>, vector<128x128xf32>
    %get3A_23 = arith.constant 0 : index
    %get3A_24 = arith.constant 0 : index
    %get3A_25 = arith.constant 0 : index
    %get3A_26 = vector.load %arg7[%get3A_23, %get3A_24, %get3A_25] : memref<1x128x128xf32, #tpu.memory_space<vmem>>, vector<1x128x128xf32>
    %get3A_27 = vector.shape_cast %get3A_26 : vector<1x128x128xf32> to vector<128x128xf32>
    %get3A_28 = arith.constant 0 : index
    %get3A_29 = arith.constant 0 : index
    %get3A_30 = arith.constant 0 : index
    %get3A_31 = vector.load %arg1[%get3A_28, %get3A_29, %get3A_30] : memref<1x128x128xf32, #tpu.memory_space<vmem>>, vector<1x128x128xf32>
    %get3A_32 = vector.shape_cast %get3A_31 : vector<1x128x128xf32> to vector<128x128xf32>
    %dot_general3A = arith.constant dense<0.000000e+00> : vector<128x128xf32>
    %dot_general3A_33 = tpu.matmul %select_n3A, %get3A_32, %dot_general3A {dimension_numbers = #tpu.dot_dimension_numbers<[1], [0], [0], [1], [0, 0, 1, 1], [], []>, transpose_lhs_hint = false} : vector<128x128xf32>, vector<128x128xf32>, vector<128x128xf32> -> vector<128x128xf32>
    %mul3A = arith.mulf %dot_general3A_33, %select_n3A_22 : vector<128x128xf32>
    %reduce_sum3A = arith.constant dense<0.000000e+00> : vector<128xf32>
    %reduce_sum3A_34 = vector.multi_reduction <add>, %mul3A, %reduce_sum3A [1] : vector<128x128xf32> to vector<128xf32>
    %get3A_35 = arith.constant 0 : index
    %get3A_36 = arith.constant 0 : index
    %get3A_37 = arith.constant 0 : index
    %get3A_38 = vector.load %arg2[%get3A_35, %get3A_36, %get3A_37] : memref<1x128x128xf32, #tpu.memory_space<vmem>>, vector<1x128x128xf32>
    %get3A_39 = vector.shape_cast %get3A_38 : vector<1x128x128xf32> to vector<128x128xf32>
    %dot_general3A_40 = arith.constant dense<0.000000e+00> : vector<128x128xf32>
    %dot_general3A_41 = tpu.matmul %select_n3A, %get3A_39, %dot_general3A_40 {dimension_numbers = #tpu.dot_dimension_numbers<[1], [0], [0], [1], [0, 0, 1, 1], [], []>, transpose_lhs_hint = false} : vector<128x128xf32>, vector<128x128xf32>, vector<128x128xf32> -> vector<128x128xf32>
    %mul3A_42 = arith.mulf %dot_general3A_41, %select_n3A_22 : vector<128x128xf32>
    %reduce_sum3A_43 = arith.constant dense<0.000000e+00> : vector<128xf32>
    %reduce_sum3A_44 = vector.multi_reduction <add>, %mul3A_42, %reduce_sum3A_43 [1] : vector<128x128xf32> to vector<128xf32>
    %get3A_45 = arith.constant 0 : index
    %get3A_46 = arith.constant 0 : index
    %get3A_47 = arith.constant 0 : index
    %get3A_48 = vector.load %arg3[%get3A_45, %get3A_46, %get3A_47] : memref<1x128x128xf32, #tpu.memory_space<vmem>>, vector<1x128x128xf32>
    %get3A_49 = vector.shape_cast %get3A_48 : vector<1x128x128xf32> to vector<128x128xf32>
    %dot_general3A_50 = arith.constant dense<0.000000e+00> : vector<128x128xf32>
    %dot_general3A_51 = tpu.matmul %select_n3A, %get3A_49, %dot_general3A_50 {dimension_numbers = #tpu.dot_dimension_numbers<[1], [0], [0], [1], [0, 0, 1, 1], [], []>, transpose_lhs_hint = false} : vector<128x128xf32>, vector<128x128xf32>, vector<128x128xf32> -> vector<128x128xf32>
    %mul3A_52 = arith.mulf %dot_general3A_51, %select_n3A_22 : vector<128x128xf32>
    %reduce_sum3A_53 = arith.constant dense<0.000000e+00> : vector<128xf32>
    %reduce_sum3A_54 = vector.multi_reduction <add>, %mul3A_52, %reduce_sum3A_53 [1] : vector<128x128xf32> to vector<128xf32>
    %get3A_55 = arith.constant 0 : index
    %get3A_56 = arith.constant 0 : index
    %get3A_57 = arith.constant 0 : index
    %get3A_58 = vector.load %arg4[%get3A_55, %get3A_56, %get3A_57] : memref<1x128x128xf32, #tpu.memory_space<vmem>>, vector<1x128x128xf32>
    %get3A_59 = vector.shape_cast %get3A_58 : vector<1x128x128xf32> to vector<128x128xf32>
    %dot_general3A_60 = arith.constant dense<0.000000e+00> : vector<128x128xf32>
    %dot_general3A_61 = tpu.matmul %select_n3A, %get3A_59, %dot_general3A_60 {dimension_numbers = #tpu.dot_dimension_numbers<[1], [0], [0], [1], [0, 0, 1, 1], [], []>, transpose_lhs_hint = false} : vector<128x128xf32>, vector<128x128xf32>, vector<128x128xf32> -> vector<128x128xf32>
    %mul3A_62 = arith.mulf %dot_general3A_61, %select_n3A_22 : vector<128x128xf32>
    %reduce_sum3A_63 = arith.constant dense<0.000000e+00> : vector<128xf32>
    %reduce_sum3A_64 = vector.multi_reduction <add>, %mul3A_62, %reduce_sum3A_63 [1] : vector<128x128xf32> to vector<128xf32>
    %get3A_65 = arith.constant 0 : index
    %get3A_66 = arith.constant 0 : index
    %get3A_67 = arith.constant 0 : index
    %get3A_68 = vector.load %arg5[%get3A_65, %get3A_66, %get3A_67] : memref<1x128x128xf32, #tpu.memory_space<vmem>>, vector<1x128x128xf32>
    %get3A_69 = vector.shape_cast %get3A_68 : vector<1x128x128xf32> to vector<128x128xf32>
    %dot_general3A_70 = arith.constant dense<0.000000e+00> : vector<128x128xf32>
    %dot_general3A_71 = tpu.matmul %select_n3A, %get3A_69, %dot_general3A_70 {dimension_numbers = #tpu.dot_dimension_numbers<[1], [0], [0], [1], [0, 0, 1, 1], [], []>, transpose_lhs_hint = false} : vector<128x128xf32>, vector<128x128xf32>, vector<128x128xf32> -> vector<128x128xf32>
    %mul3A_72 = arith.mulf %dot_general3A_71, %select_n3A_22 : vector<128x128xf32>
    %reduce_sum3A_73 = arith.constant dense<0.000000e+00> : vector<128xf32>
    %reduce_sum3A_74 = vector.multi_reduction <add>, %mul3A_72, %reduce_sum3A_73 [1] : vector<128x128xf32> to vector<128xf32>
    %get3A_75 = arith.constant 0 : index
    %get3A_76 = arith.constant 0 : index
    %get3A_77 = arith.constant 0 : index
    %get3A_78 = vector.load %arg6[%get3A_75, %get3A_76, %get3A_77] : memref<1x128x128xf32, #tpu.memory_space<vmem>>, vector<1x128x128xf32>
    %get3A_79 = vector.shape_cast %get3A_78 : vector<1x128x128xf32> to vector<128x128xf32>
    %dot_general3A_80 = arith.constant dense<0.000000e+00> : vector<128x128xf32>
    %dot_general3A_81 = tpu.matmul %select_n3A, %get3A_79, %dot_general3A_80 {dimension_numbers = #tpu.dot_dimension_numbers<[1], [0], [0], [1], [0, 0, 1, 1], [], []>, transpose_lhs_hint = false} : vector<128x128xf32>, vector<128x128xf32>, vector<128x128xf32> -> vector<128x128xf32>
    %mul3A_82 = arith.mulf %dot_general3A_81, %select_n3A_22 : vector<128x128xf32>
    %reduce_sum3A_83 = arith.constant dense<0.000000e+00> : vector<128xf32>
    %reduce_sum3A_84 = vector.multi_reduction <add>, %mul3A_82, %reduce_sum3A_83 [1] : vector<128x128xf32> to vector<128xf32>
    %dot_general3A_85 = arith.constant dense<0.000000e+00> : vector<128x128xf32>
    %dot_general3A_86 = tpu.matmul %select_n3A, %get3A_27, %dot_general3A_85 {dimension_numbers = #tpu.dot_dimension_numbers<[1], [0], [0], [1], [0, 0, 1, 1], [], []>, transpose_lhs_hint = false} : vector<128x128xf32>, vector<128x128xf32>, vector<128x128xf32> -> vector<128x128xf32>
    %mul3A_87 = arith.mulf %dot_general3A_86, %select_n3A_22 : vector<128x128xf32>
    %reduce_sum3A_88 = arith.constant dense<0.000000e+00> : vector<128xf32>
    %reduce_sum3A_89 = vector.multi_reduction <add>, %mul3A_87, %reduce_sum3A_88 [1] : vector<128x128xf32> to vector<128xf32>
    %get3A_90 = arith.constant 0 : index
    %get3A_91 = arith.constant 0 : index
    %get3A_92 = vector.load %arg8[%get3A_90, %get3A_91] : memref<128x128xf32, #tpu.memory_space<vmem>>, vector<128x128xf32>
    %slice3A_93 = vector.extract_strided_slice %get3A_92 {offsets = [0, 0], sizes = [128, 63], strides = [1, 1]} : vector<128x128xf32> to vector<128x63xf32>
    %slice3A_94 = vector.extract_strided_slice %get3A_3 {offsets = [0, 0], sizes = [128, 1], strides = [1, 1]} : vector<128x16xf32> to vector<128x1xf32>
    %squeeze3A_95 = vector.shape_cast %slice3A_94 : vector<128x1xf32> to vector<128xf32>
    %sub3A = arith.subf %reduce_sum3A_34, %squeeze3A_95 : vector<128xf32>
    %abs3A = math.absf %sub3A : vector<128xf32>
    %slice3A_96 = vector.extract_strided_slice %get3A_3 {offsets = [0, 1], sizes = [128, 1], strides = [1, 1]} : vector<128x16xf32> to vector<128x1xf32>
    %squeeze3A_97 = vector.shape_cast %slice3A_96 : vector<128x1xf32> to vector<128xf32>
    %sub3A_98 = arith.subf %reduce_sum3A_44, %squeeze3A_97 : vector<128xf32>
    %abs3A_99 = math.absf %sub3A_98 : vector<128xf32>
    %add3A = arith.addf %abs3A, %abs3A_99 : vector<128xf32>
    %slice3A_100 = vector.extract_strided_slice %get3A_3 {offsets = [0, 3], sizes = [128, 1], strides = [1, 1]} : vector<128x16xf32> to vector<128x1xf32>
    %squeeze3A_101 = vector.shape_cast %slice3A_100 : vector<128x1xf32> to vector<128xf32>
    %sub3A_102 = arith.subf %reduce_sum3A_64, %squeeze3A_101 : vector<128xf32>
    %abs3A_103 = math.absf %sub3A_102 : vector<128xf32>
    %add3A_104 = arith.addf %add3A, %abs3A_103 : vector<128xf32>
    %slice3A_105 = vector.extract_strided_slice %get3A_3 {offsets = [0, 4], sizes = [128, 1], strides = [1, 1]} : vector<128x16xf32> to vector<128x1xf32>
    %squeeze3A_106 = vector.shape_cast %slice3A_105 : vector<128x1xf32> to vector<128xf32>
    %sub3A_107 = arith.subf %reduce_sum3A_74, %squeeze3A_106 : vector<128xf32>
    %abs3A_108 = math.absf %sub3A_107 : vector<128xf32>
    %add3A_109 = arith.addf %add3A_104, %abs3A_108 : vector<128xf32>
    %slice3A_110 = vector.extract_strided_slice %get3A_3 {offsets = [0, 2], sizes = [128, 1], strides = [1, 1]} : vector<128x16xf32> to vector<128x1xf32>
    %squeeze3A_111 = vector.shape_cast %slice3A_110 : vector<128x1xf32> to vector<128xf32>
    %sub3A_112 = arith.subf %reduce_sum3A_54, %squeeze3A_111 : vector<128xf32>
    %abs3A_113 = math.absf %sub3A_112 : vector<128xf32>
    %add3A_114 = arith.addf %add3A_109, %abs3A_113 : vector<128xf32>
    %slice3A_115 = vector.extract_strided_slice %get3A_3 {offsets = [0, 5], sizes = [128, 1], strides = [1, 1]} : vector<128x16xf32> to vector<128x1xf32>
    %squeeze3A_116 = vector.shape_cast %slice3A_115 : vector<128x1xf32> to vector<128xf32>
    %sub3A_117 = arith.subf %reduce_sum3A_84, %squeeze3A_116 : vector<128xf32>
    %abs3A_118 = math.absf %sub3A_117 : vector<128xf32>
    %add3A_119 = arith.addf %add3A_114, %abs3A_118 : vector<128xf32>
    %mul3A_120 = arith.mulf %add3A_119, %squeeze3A_7 : vector<128xf32>
    %reduce_sum3A_121 = vector.shape_cast %mul3A_120 : vector<128xf32> to vector<1x128xf32>
    %reduce_sum3A_122 = arith.constant dense<0.000000e+00> : vector<1xf32>
    %reduce_sum3A_123 = vector.multi_reduction <add>, %reduce_sum3A_121, %reduce_sum3A_122 [1] : vector<1x128xf32> to vector<1xf32>
    %reduce_sum3A_124 = vector.shape_cast %reduce_sum3A_123 : vector<1xf32> to vector<1x1xf32>
    %reduce_sum3A_125 = vector.extract %reduce_sum3A_124[0, 0] : f32 from vector<1x1xf32>
    %get3A_126 = arith.constant 0 : index
    %get3A_127 = arith.constant 0 : index
    %get3A_128 = vector.load %arg9[%get3A_126, %get3A_127] : memref<128x63xf32, #tpu.memory_space<vmem>>, vector<128x63xf32>
    %sub3A_129 = arith.subf %slice3A_93, %get3A_128 : vector<128x63xf32>
    %abs3A_130 = math.absf %sub3A_129 : vector<128x63xf32>
    %reduce_sum3A_131 = arith.constant dense<0.000000e+00> : vector<128xf32>
    %reduce_sum3A_132 = vector.multi_reduction <add>, %abs3A_130, %reduce_sum3A_131 [1] : vector<128x63xf32> to vector<128xf32>
    %mul3A_133 = arith.mulf %reduce_sum3A_132, %squeeze3A_7 : vector<128xf32>
    %reduce_sum3A_134 = vector.shape_cast %mul3A_133 : vector<128xf32> to vector<1x128xf32>
    %reduce_sum3A_135 = arith.constant dense<0.000000e+00> : vector<1xf32>
    %reduce_sum3A_136 = vector.multi_reduction <add>, %reduce_sum3A_134, %reduce_sum3A_135 [1] : vector<1x128xf32> to vector<1xf32>
    %reduce_sum3A_137 = vector.shape_cast %reduce_sum3A_136 : vector<1xf32> to vector<1x1xf32>
    %reduce_sum3A_138 = vector.extract %reduce_sum3A_137[0, 0] : f32 from vector<1x1xf32>
    %reduce_sum3A_139 = vector.shape_cast %squeeze3A_7 : vector<128xf32> to vector<1x128xf32>
    %reduce_sum3A_140 = arith.constant dense<0.000000e+00> : vector<1xf32>
    %reduce_sum3A_141 = vector.multi_reduction <add>, %reduce_sum3A_139, %reduce_sum3A_140 [1] : vector<1x128xf32> to vector<1xf32>
    %reduce_sum3A_142 = vector.shape_cast %reduce_sum3A_141 : vector<1xf32> to vector<1x1xf32>
    %reduce_sum3A_143 = vector.extract %reduce_sum3A_142[0, 0] : f32 from vector<1x1xf32>
    %neg3A = arith.constant 0.000000e+00 : f32
    %neg3A_144 = vector.broadcast %neg3A : f32 to vector<128xf32>
    %neg3A_145 = arith.subf %neg3A_144, %reduce_sum3A_89 : vector<128xf32>
    %custom_jvp_call3A = arith.constant 0.000000e+00 : f32
    %max3A = vector.broadcast %custom_jvp_call3A : f32 to vector<128xf32>
    %max3A_146 = arith.maximumf %neg3A_145, %max3A : vector<128xf32>
    %sub3A_147 = vector.broadcast %custom_jvp_call3A : f32 to vector<128xf32>
    %sub3A_148 = arith.subf %neg3A_145, %sub3A_147 : vector<128xf32>
    %ne3A = arith.cmpf one, %sub3A_148, %sub3A_148 : vector<128xf32>
    %add3A_149 = vector.broadcast %custom_jvp_call3A : f32 to vector<128xf32>
    %add3A_150 = arith.addf %neg3A_145, %add3A_149 : vector<128xf32>
    %abs3A_151 = math.absf %sub3A_148 : vector<128xf32>
    %neg3A_152 = arith.constant 0.000000e+00 : f32
    %neg3A_153 = vector.broadcast %neg3A_152 : f32 to vector<128xf32>
    %neg3A_154 = arith.subf %neg3A_153, %abs3A_151 : vector<128xf32>
    %exp3A = math.exp %neg3A_154 : vector<128xf32>
    %log1p3A = math.log1p %exp3A : vector<128xf32>
    %add3A_155 = arith.addf %max3A_146, %log1p3A : vector<128xf32>
    %select_n3A_156 = arith.select %ne3A, %add3A_150, %add3A_155 : vector<128xi1>, vector<128xf32>
    %mul3A_157 = arith.constant 5.000000e+00 : f32
    %mul3A_158 = vector.broadcast %mul3A_157 : f32 to vector<128xf32>
    %mul3A_159 = arith.mulf %mul3A_158, %select_n3A_156 : vector<128xf32>
    %custom_jvp_call3A_160 = arith.constant 0.000000e+00 : f32
    %max3A_161 = vector.broadcast %custom_jvp_call3A_160 : f32 to vector<128xf32>
    %max3A_162 = arith.maximumf %reduce_sum3A_89, %max3A_161 : vector<128xf32>
    %sub3A_163 = vector.broadcast %custom_jvp_call3A_160 : f32 to vector<128xf32>
    %sub3A_164 = arith.subf %reduce_sum3A_89, %sub3A_163 : vector<128xf32>
    %ne3A_165 = arith.cmpf one, %sub3A_164, %sub3A_164 : vector<128xf32>
    %add3A_166 = vector.broadcast %custom_jvp_call3A_160 : f32 to vector<128xf32>
    %add3A_167 = arith.addf %reduce_sum3A_89, %add3A_166 : vector<128xf32>
    %abs3A_168 = math.absf %sub3A_164 : vector<128xf32>
    %neg3A_169 = arith.constant 0.000000e+00 : f32
    %neg3A_170 = vector.broadcast %neg3A_169 : f32 to vector<128xf32>
    %neg3A_171 = arith.subf %neg3A_170, %abs3A_168 : vector<128xf32>
    %exp3A_172 = math.exp %neg3A_171 : vector<128xf32>
    %log1p3A_173 = math.log1p %exp3A_172 : vector<128xf32>
    %add3A_174 = arith.addf %max3A_162, %log1p3A_173 : vector<128xf32>
    %select_n3A_175 = arith.select %ne3A_165, %add3A_167, %add3A_174 : vector<128xi1>, vector<128xf32>
    %sub3A_176 = arith.subf %mul3A_159, %select_n3A_175 : vector<128xf32>
    %mul3A_177 = arith.mulf %squeeze3A_7, %sub3A_176 : vector<128xf32>
    %reduce_sum3A_178 = vector.shape_cast %mul3A_177 : vector<128xf32> to vector<1x128xf32>
    %reduce_sum3A_179 = arith.constant dense<0.000000e+00> : vector<1xf32>
    %reduce_sum3A_180 = vector.multi_reduction <add>, %reduce_sum3A_178, %reduce_sum3A_179 [1] : vector<1x128xf32> to vector<1xf32>
    %reduce_sum3A_181 = vector.shape_cast %reduce_sum3A_180 : vector<1xf32> to vector<1x1xf32>
    %reduce_sum3A_182 = vector.extract %reduce_sum3A_181[0, 0] : f32 from vector<1x1xf32>
    %custom_jvp_call3A_183 = arith.constant 0.000000e+00 : f32
    %max3A_184 = vector.broadcast %custom_jvp_call3A_183 : f32 to vector<128x128xf32>
    %max3A_185 = arith.maximumf %get3A_27, %max3A_184 : vector<128x128xf32>
    %sub3A_186 = vector.broadcast %custom_jvp_call3A_183 : f32 to vector<128x128xf32>
    %sub3A_187 = arith.subf %get3A_27, %sub3A_186 : vector<128x128xf32>
    %ne3A_188 = arith.cmpf one, %sub3A_187, %sub3A_187 : vector<128x128xf32>
    %add3A_189 = vector.broadcast %custom_jvp_call3A_183 : f32 to vector<128x128xf32>
    %add3A_190 = arith.addf %get3A_27, %add3A_189 : vector<128x128xf32>
    %abs3A_191 = math.absf %sub3A_187 : vector<128x128xf32>
    %neg3A_192 = arith.constant 0.000000e+00 : f32
    %neg3A_193 = vector.broadcast %neg3A_192 : f32 to vector<128x128xf32>
    %neg3A_194 = arith.subf %neg3A_193, %abs3A_191 : vector<128x128xf32>
    %exp3A_195 = math.exp %neg3A_194 : vector<128x128xf32>
    %log1p3A_196 = math.log1p %exp3A_195 : vector<128x128xf32>
    %add3A_197 = arith.addf %max3A_185, %log1p3A_196 : vector<128x128xf32>
    %select_n3A_198 = arith.select %ne3A_188, %add3A_190, %add3A_197 : vector<128x128xi1>, vector<128x128xf32>
    %reduce_sum3A_199 = vector.shape_cast %select_n3A_198 : vector<128x128xf32> to vector<1x128x128xf32>
    %reduce_sum3A_200 = arith.constant dense<0.000000e+00> : vector<1xf32>
    %reduce_sum3A_201 = vector.multi_reduction <add>, %reduce_sum3A_199, %reduce_sum3A_200 [1, 2] : vector<1x128x128xf32> to vector<1xf32>
    %reduce_sum3A_202 = vector.shape_cast %reduce_sum3A_201 : vector<1xf32> to vector<1x1x1xf32>
    %reduce_sum3A_203 = vector.extract %reduce_sum3A_202[0, 0, 0] : f32 from vector<1x1x1xf32>
    %add3A_204 = arith.addf %reduce_sum3A_34, %squeeze3A : vector<128xf32>
    %add3A_205 = arith.addf %reduce_sum3A_44, %squeeze3A_5 : vector<128xf32>
    %exp3A_206 = math.exp %reduce_sum3A_64 : vector<128xf32>
    %mul3A_207 = arith.constant 4.000000e+00 : f32
    %mul3A_208 = vector.broadcast %mul3A_207 : f32 to vector<128xf32>
    %mul3A_209 = arith.mulf %exp3A_206, %mul3A_208 : vector<128xf32>
    %exp3A_210 = math.exp %reduce_sum3A_74 : vector<128xf32>
    %mul3A_211 = arith.constant 4.000000e+00 : f32
    %mul3A_212 = vector.broadcast %mul3A_211 : f32 to vector<128xf32>
    %mul3A_213 = arith.mulf %exp3A_210, %mul3A_212 : vector<128xf32>
    %gt3A = arith.constant 0.000000e+00 : f32
    %gt3A_214 = vector.broadcast %gt3A : f32 to vector<128xf32>
    %gt3A_215 = arith.cmpf ogt, %squeeze3A_7, %gt3A_214 : vector<128xf32>
    %mul3A_216 = arith.constant 5.000000e-01 : f32
    %mul3A_217 = vector.broadcast %mul3A_216 : f32 to vector<128xf32>
    %mul3A_218 = arith.mulf %mul3A_217, %mul3A_209 : vector<128xf32>
    %sub3A_219 = arith.subf %add3A_204, %mul3A_218 : vector<128xf32>
    %jit3A_220 = arith.constant 0.000000e+00 : f32
    %broadcast_in_dim3A_221 = vector.broadcast %jit3A_220 : f32 to vector<128xf32>
    %select_n3A_222 = arith.select %gt3A_215, %sub3A_219, %broadcast_in_dim3A_221 : vector<128xi1>, vector<128xf32>
    %broadcast_in_dim3A_223 = vector.shape_cast %select_n3A_222 : vector<128xf32> to vector<128x1xf32>
    %mul3A_224 = arith.constant 5.000000e-01 : f32
    %mul3A_225 = vector.broadcast %mul3A_224 : f32 to vector<128xf32>
    %mul3A_226 = arith.mulf %mul3A_225, %mul3A_209 : vector<128xf32>
    %add3A_227 = arith.addf %add3A_204, %mul3A_226 : vector<128xf32>
    %jit3A_228 = arith.constant 1.000000e+00 : f32
    %broadcast_in_dim3A_229 = vector.broadcast %jit3A_228 : f32 to vector<128xf32>
    %select_n3A_230 = arith.select %gt3A_215, %add3A_227, %broadcast_in_dim3A_229 : vector<128xi1>, vector<128xf32>
    %broadcast_in_dim3A_231 = vector.shape_cast %select_n3A_230 : vector<128xf32> to vector<128x1xf32>
    %mul3A_232 = arith.constant 5.000000e-01 : f32
    %mul3A_233 = vector.broadcast %mul3A_232 : f32 to vector<128xf32>
    %mul3A_234 = arith.mulf %mul3A_233, %mul3A_213 : vector<128xf32>
    %sub3A_235 = arith.subf %add3A_205, %mul3A_234 : vector<128xf32>
    %jit3A_236 = arith.constant 0.000000e+00 : f32
    %broadcast_in_dim3A_237 = vector.broadcast %jit3A_236 : f32 to vector<128xf32>
    %select_n3A_238 = arith.select %gt3A_215, %sub3A_235, %broadcast_in_dim3A_237 : vector<128xi1>, vector<128xf32>
    %broadcast_in_dim3A_239 = vector.shape_cast %select_n3A_238 : vector<128xf32> to vector<128x1xf32>
    %mul3A_240 = arith.constant 5.000000e-01 : f32
    %mul3A_241 = vector.broadcast %mul3A_240 : f32 to vector<128xf32>
    %mul3A_242 = arith.mulf %mul3A_241, %mul3A_213 : vector<128xf32>
    %add3A_243 = arith.addf %add3A_205, %mul3A_242 : vector<128xf32>
    %jit3A_244 = arith.constant 1.000000e+00 : f32
    %broadcast_in_dim3A_245 = vector.broadcast %jit3A_244 : f32 to vector<128xf32>
    %select_n3A_246 = arith.select %gt3A_215, %add3A_243, %broadcast_in_dim3A_245 : vector<128xi1>, vector<128xf32>
    %broadcast_in_dim3A_247 = vector.shape_cast %select_n3A_246 : vector<128xf32> to vector<128x1xf32>
    %mul3A_248 = arith.mulf %mul3A_209, %mul3A_213 : vector<128xf32>
    %jit3A_249 = arith.constant 1.000000e+00 : f32
    %broadcast_in_dim3A_250 = vector.broadcast %jit3A_249 : f32 to vector<128xf32>
    %select_n3A_251 = arith.select %gt3A_215, %mul3A_248, %broadcast_in_dim3A_250 : vector<128xi1>, vector<128xf32>
    %broadcast_in_dim3A_252 = vector.shape_cast %select_n3A_251 : vector<128xf32> to vector<128x1xf32>
    %broadcast_in_dim3A_253 = vector.shape_cast %squeeze3A_7 : vector<128xf32> to vector<128x1xf32>
    %get3A_254 = arith.constant 0 : index
    %get3A_255 = arith.constant 0 : index
    %get3A_256 = vector.load %arg11[%get3A_254, %get3A_255] : memref<2048x16xf32, #tpu.memory_space<vmem>>, vector<2048x16xf32>
    %slice3A_257 = vector.extract_strided_slice %get3A_256 {offsets = [0, 12], sizes = [2048, 1], strides = [1, 1]} : vector<2048x16xf32> to vector<2048x1xf32>
    %squeeze3A_258 = vector.shape_cast %slice3A_257 : vector<2048x1xf32> to vector<2048xf32>
    %gt3A_259 = arith.constant 0.000000e+00 : f32
    %gt3A_260 = vector.broadcast %gt3A_259 : f32 to vector<2048xf32>
    %gt3A_261 = arith.cmpf ogt, %squeeze3A_258, %gt3A_260 : vector<2048xf32>
    %slice3A_262 = vector.extract_strided_slice %get3A_256 {offsets = [0, 6], sizes = [2048, 1], strides = [1, 1]} : vector<2048x16xf32> to vector<2048x1xf32>
    %squeeze3A_263 = vector.shape_cast %slice3A_262 : vector<2048x1xf32> to vector<2048xf32>
    %slice3A_264 = vector.extract_strided_slice %get3A_256 {offsets = [0, 7], sizes = [2048, 1], strides = [1, 1]} : vector<2048x16xf32> to vector<2048x1xf32>
    %squeeze3A_265 = vector.shape_cast %slice3A_264 : vector<2048x1xf32> to vector<2048xf32>
    %slice3A_266 = vector.extract_strided_slice %get3A_256 {offsets = [0, 8], sizes = [2048, 1], strides = [1, 1]} : vector<2048x16xf32> to vector<2048x1xf32>
    %squeeze3A_267 = vector.shape_cast %slice3A_266 : vector<2048x1xf32> to vector<2048xf32>
    %slice3A_268 = vector.extract_strided_slice %get3A_256 {offsets = [0, 9], sizes = [2048, 1], strides = [1, 1]} : vector<2048x16xf32> to vector<2048x1xf32>
    %squeeze3A_269 = vector.shape_cast %slice3A_268 : vector<2048x1xf32> to vector<2048xf32>
    %mul3A_270 = arith.constant 5.000000e-01 : f32
    %mul3A_271 = vector.broadcast %mul3A_270 : f32 to vector<2048xf32>
    %mul3A_272 = arith.mulf %mul3A_271, %squeeze3A_267 : vector<2048xf32>
    %sub3A_273 = arith.subf %squeeze3A_263, %mul3A_272 : vector<2048xf32>
    %jit3A_274 = arith.constant 0.000000e+00 : f32
    %broadcast_in_dim3A_275 = vector.broadcast %jit3A_274 : f32 to vector<2048xf32>
    %select_n3A_276 = arith.select %gt3A_261, %sub3A_273, %broadcast_in_dim3A_275 : vector<2048xi1>, vector<2048xf32>
    %broadcast_in_dim3A_277 = vector.shape_cast %select_n3A_276 : vector<2048xf32> to vector<1x2048xf32>
    %mul3A_278 = arith.constant 5.000000e-01 : f32
    %mul3A_279 = vector.broadcast %mul3A_278 : f32 to vector<2048xf32>
    %mul3A_280 = arith.mulf %mul3A_279, %squeeze3A_267 : vector<2048xf32>
    %add3A_281 = arith.addf %squeeze3A_263, %mul3A_280 : vector<2048xf32>
    %jit3A_282 = arith.constant 1.000000e+00 : f32
    %broadcast_in_dim3A_283 = vector.broadcast %jit3A_282 : f32 to vector<2048xf32>
    %select_n3A_284 = arith.select %gt3A_261, %add3A_281, %broadcast_in_dim3A_283 : vector<2048xi1>, vector<2048xf32>
    %broadcast_in_dim3A_285 = vector.shape_cast %select_n3A_284 : vector<2048xf32> to vector<1x2048xf32>
    %mul3A_286 = arith.constant 5.000000e-01 : f32
    %mul3A_287 = vector.broadcast %mul3A_286 : f32 to vector<2048xf32>
    %mul3A_288 = arith.mulf %mul3A_287, %squeeze3A_269 : vector<2048xf32>
    %sub3A_289 = arith.subf %squeeze3A_265, %mul3A_288 : vector<2048xf32>
    %jit3A_290 = arith.constant 0.000000e+00 : f32
    %broadcast_in_dim3A_291 = vector.broadcast %jit3A_290 : f32 to vector<2048xf32>
    %select_n3A_292 = arith.select %gt3A_261, %sub3A_289, %broadcast_in_dim3A_291 : vector<2048xi1>, vector<2048xf32>
    %broadcast_in_dim3A_293 = vector.shape_cast %select_n3A_292 : vector<2048xf32> to vector<1x2048xf32>
    %mul3A_294 = arith.constant 5.000000e-01 : f32
    %mul3A_295 = vector.broadcast %mul3A_294 : f32 to vector<2048xf32>
    %mul3A_296 = arith.mulf %mul3A_295, %squeeze3A_269 : vector<2048xf32>
    %add3A_297 = arith.addf %squeeze3A_265, %mul3A_296 : vector<2048xf32>
    %jit3A_298 = arith.constant 1.000000e+00 : f32
    %broadcast_in_dim3A_299 = vector.broadcast %jit3A_298 : f32 to vector<2048xf32>
    %select_n3A_300 = arith.select %gt3A_261, %add3A_297, %broadcast_in_dim3A_299 : vector<2048xi1>, vector<2048xf32>
    %broadcast_in_dim3A_301 = vector.shape_cast %select_n3A_300 : vector<2048xf32> to vector<1x2048xf32>
    %mul3A_302 = arith.mulf %squeeze3A_267, %squeeze3A_269 : vector<2048xf32>
    %jit3A_303 = arith.constant 1.000000e+00 : f32
    %broadcast_in_dim3A_304 = vector.broadcast %jit3A_303 : f32 to vector<2048xf32>
    %select_n3A_305 = arith.select %gt3A_261, %mul3A_302, %broadcast_in_dim3A_304 : vector<2048xi1>, vector<2048xf32>
    %broadcast_in_dim3A_306 = vector.shape_cast %select_n3A_305 : vector<2048xf32> to vector<1x2048xf32>
    %broadcast_in_dim3A_307 = vector.shape_cast %squeeze3A_258 : vector<2048xf32> to vector<1x2048xf32>
    %min3A = vector.broadcast %broadcast_in_dim3A_231 : vector<128x1xf32> to vector<128x2048xf32>
    %min3A_308 = vector.broadcast %broadcast_in_dim3A_285 : vector<1x2048xf32> to vector<128x2048xf32>
    %min3A_309 = arith.minimumf %min3A, %min3A_308 : vector<128x2048xf32>
    %max3A_310 = vector.broadcast %broadcast_in_dim3A_223 : vector<128x1xf32> to vector<128x2048xf32>
    %max3A_311 = vector.broadcast %broadcast_in_dim3A_277 : vector<1x2048xf32> to vector<128x2048xf32>
    %max3A_312 = arith.maximumf %max3A_310, %max3A_311 : vector<128x2048xf32>
    %sub3A_313 = arith.subf %min3A_309, %max3A_312 : vector<128x2048xf32>
    %max3A_314 = arith.constant 0.000000e+00 : f32
    %max3A_315 = vector.broadcast %max3A_314 : f32 to vector<128x2048xf32>
    %max3A_316 = arith.maximumf %sub3A_313, %max3A_315 : vector<128x2048xf32>
    %min3A_317 = vector.broadcast %broadcast_in_dim3A_247 : vector<128x1xf32> to vector<128x2048xf32>
    %min3A_318 = vector.broadcast %broadcast_in_dim3A_301 : vector<1x2048xf32> to vector<128x2048xf32>
    %min3A_319 = arith.minimumf %min3A_317, %min3A_318 : vector<128x2048xf32>
    %max3A_320 = vector.broadcast %broadcast_in_dim3A_239 : vector<128x1xf32> to vector<128x2048xf32>
    %max3A_321 = vector.broadcast %broadcast_in_dim3A_293 : vector<1x2048xf32> to vector<128x2048xf32>
    %max3A_322 = arith.maximumf %max3A_320, %max3A_321 : vector<128x2048xf32>
    %sub3A_323 = arith.subf %min3A_319, %max3A_322 : vector<128x2048xf32>
    %max3A_324 = arith.constant 0.000000e+00 : f32
    %max3A_325 = vector.broadcast %max3A_324 : f32 to vector<128x2048xf32>
    %max3A_326 = arith.maximumf %sub3A_323, %max3A_325 : vector<128x2048xf32>
    %mul3A_327 = arith.mulf %max3A_316, %max3A_326 : vector<128x2048xf32>
    %add3A_328 = vector.broadcast %broadcast_in_dim3A_252 : vector<128x1xf32> to vector<128x2048xf32>
    %add3A_329 = vector.broadcast %broadcast_in_dim3A_306 : vector<1x2048xf32> to vector<128x2048xf32>
    %add3A_330 = arith.addf %add3A_328, %add3A_329 : vector<128x2048xf32>
    %sub3A_331 = arith.subf %add3A_330, %mul3A_327 : vector<128x2048xf32>
    %sub3A_332 = arith.subf %sub3A_331, %mul3A_327 : vector<128x2048xf32>
    %div3A = arith.divf %sub3A_332, %sub3A_331 : vector<128x2048xf32>
    %mul3A_333 = vector.broadcast %broadcast_in_dim3A_253 : vector<128x1xf32> to vector<128x2048xf32>
    %mul3A_334 = vector.broadcast %broadcast_in_dim3A_307 : vector<1x2048xf32> to vector<128x2048xf32>
    %mul3A_335 = arith.mulf %mul3A_333, %mul3A_334 : vector<128x2048xf32>
    %mul3A_336 = arith.mulf %div3A, %mul3A_335 : vector<128x2048xf32>
    %reduce_sum3A_337 = vector.shape_cast %mul3A_336 : vector<128x2048xf32> to vector<1x128x2048xf32>
    %reduce_sum3A_338 = arith.constant dense<0.000000e+00> : vector<1xf32>
    %reduce_sum3A_339 = vector.multi_reduction <add>, %reduce_sum3A_337, %reduce_sum3A_338 [1, 2] : vector<1x128x2048xf32> to vector<1xf32>
    %reduce_sum3A_340 = vector.shape_cast %reduce_sum3A_339 : vector<1xf32> to vector<1x1x1xf32>
    %reduce_sum3A_341 = vector.extract %reduce_sum3A_340[0, 0, 0] : f32 from vector<1x1x1xf32>
    %get3A_342 = arith.constant 0 : index
    %get3A_343 = memref.load %arg13[%get3A_342] : memref<8xf32, #tpu.memory_space<smem>>
    %add3A_344 = arith.addf %get3A_343, %reduce_sum3A_125 : f32
    %swap3A = arith.constant 0 : index
    %swap3A_345 = memref.load %arg13[%swap3A] : memref<8xf32, #tpu.memory_space<smem>>
    memref.store %add3A_344, %arg13[%swap3A] : memref<8xf32, #tpu.memory_space<smem>>
    %get3A_346 = arith.constant 1 : index
    %get3A_347 = memref.load %arg13[%get3A_346] : memref<8xf32, #tpu.memory_space<smem>>
    %add3A_348 = arith.addf %get3A_347, %reduce_sum3A_138 : f32
    %swap3A_349 = arith.constant 1 : index
    %swap3A_350 = memref.load %arg13[%swap3A_349] : memref<8xf32, #tpu.memory_space<smem>>
    memref.store %add3A_348, %arg13[%swap3A_349] : memref<8xf32, #tpu.memory_space<smem>>
    %get3A_351 = arith.constant 2 : index
    %get3A_352 = memref.load %arg13[%get3A_351] : memref<8xf32, #tpu.memory_space<smem>>
    %add3A_353 = arith.addf %get3A_352, %reduce_sum3A_182 : f32
    %swap3A_354 = arith.constant 2 : index
    %swap3A_355 = memref.load %arg13[%swap3A_354] : memref<8xf32, #tpu.memory_space<smem>>
    memref.store %add3A_353, %arg13[%swap3A_354] : memref<8xf32, #tpu.memory_space<smem>>
    %get3A_356 = arith.constant 3 : index
    %get3A_357 = memref.load %arg13[%get3A_356] : memref<8xf32, #tpu.memory_space<smem>>
    %add3A_358 = arith.addf %get3A_357, %reduce_sum3A_203 : f32
    %swap3A_359 = arith.constant 3 : index
    %swap3A_360 = memref.load %arg13[%swap3A_359] : memref<8xf32, #tpu.memory_space<smem>>
    memref.store %add3A_358, %arg13[%swap3A_359] : memref<8xf32, #tpu.memory_space<smem>>
    %get3A_361 = arith.constant 4 : index
    %get3A_362 = memref.load %arg13[%get3A_361] : memref<8xf32, #tpu.memory_space<smem>>
    %add3A_363 = arith.addf %get3A_362, %reduce_sum3A_341 : f32
    %swap3A_364 = arith.constant 4 : index
    %swap3A_365 = memref.load %arg13[%swap3A_364] : memref<8xf32, #tpu.memory_space<smem>>
    memref.store %add3A_363, %arg13[%swap3A_364] : memref<8xf32, #tpu.memory_space<smem>>
    %get3A_366 = arith.constant 5 : index
    %get3A_367 = memref.load %arg13[%get3A_366] : memref<8xf32, #tpu.memory_space<smem>>
    %add3A_368 = arith.addf %get3A_367, %reduce_sum3A_143 : f32
    %swap3A_369 = arith.constant 5 : index
    %swap3A_370 = memref.load %arg13[%swap3A_369] : memref<8xf32, #tpu.memory_space<smem>>
    memref.store %add3A_368, %arg13[%swap3A_369] : memref<8xf32, #tpu.memory_space<smem>>
    %eq3A_371 = arith.constant 15 : i32
    %eq3A_372 = arith.cmpi eq, %arg0, %eq3A_371 : i32
    %convert_element_type3A_373 = arith.extui %eq3A_372 : i1 to i32
    %cond3A_374 = arith.constant 0 : i32
    %cond3A_375 = arith.cmpi ne, %convert_element_type3A_373, %cond3A_374 : i32
    scf.if %cond3A_375 {
      %get3A_376 = arith.constant 5 : index
      %get3A_377 = memref.load %arg13[%get3A_376] : memref<8xf32, #tpu.memory_space<smem>>
      %get3A_378 = arith.constant 0 : index
      %get3A_379 = memref.load %arg13[%get3A_378] : memref<8xf32, #tpu.memory_space<smem>>
      %div3A_380 = arith.divf %get3A_379, %get3A_377 : f32
      %get3A_381 = arith.constant 1 : index
      %get3A_382 = memref.load %arg13[%get3A_381] : memref<8xf32, #tpu.memory_space<smem>>
      %div3A_383 = arith.divf %get3A_382, %get3A_377 : f32
      %get3A_384 = arith.constant 3 : index
      %get3A_385 = memref.load %arg13[%get3A_384] : memref<8xf32, #tpu.memory_space<smem>>
      %get3A_386 = arith.constant 2 : index
      %get3A_387 = memref.load %arg13[%get3A_386] : memref<8xf32, #tpu.memory_space<smem>>
      %add3A_388 = arith.addf %get3A_385, %get3A_387 : f32
      %div3A_389 = arith.constant 2.621440e+05 : f32
      %div3A_390 = arith.divf %add3A_388, %div3A_389 : f32
      %get3A_391 = arith.constant 4 : index
      %get3A_392 = memref.load %arg13[%get3A_391] : memref<8xf32, #tpu.memory_space<smem>>
      %div3A_393 = arith.divf %get3A_392, %get3A_377 : f32
      %stack3A = vector.broadcast %div3A_380 : f32 to vector<1xf32>
      %stack3A_394 = vector.broadcast %div3A_383 : f32 to vector<1xf32>
      %stack3A_395 = vector.broadcast %div3A_390 : f32 to vector<1xf32>
      %stack3A_396 = vector.broadcast %div3A_393 : f32 to vector<1xf32>
      %stack3A_397 = tpu.concatenate %stack3A, %stack3A_394, %stack3A_395, %stack3A_396 in 0 : vector<1xf32>, vector<1xf32>, vector<1xf32>, vector<1xf32> -> vector<4xf32>
      %swap3A_398 = arith.constant 0 : index
      %swap3A_399 = vector.load %arg12[%swap3A_398] : memref<4xf32, #tpu.memory_space<vmem>>, vector<4xf32>
      tpu.vector_store %arg12[%swap3A_398], %stack3A_397 {strides = array<i32>} : memref<4xf32, #tpu.memory_space<vmem>>, vector<4xf32>,
    } else {
    }
    return
  }
  func.func @transform_0(%arg0: i32) -> (i32, i32, i32) {
    %c0_i32 = arith.constant 0 : i32
    %c0_i32_0 = arith.constant 0 : i32
    %c0_i32_1 = arith.constant 0 : i32
    return %arg0, %c0_i32, %c0_i32_0 : i32, i32, i32
  }
  func.func @transform_1(%arg0: i32) -> (i32, i32, i32) {
    %c0_i32 = arith.constant 0 : i32
    %c0_i32_0 = arith.constant 0 : i32
    %c0_i32_1 = arith.constant 0 : i32
    return %arg0, %c0_i32, %c0_i32_0 : i32, i32, i32
  }
  func.func @transform_2(%arg0: i32) -> (i32, i32, i32) {
    %c0_i32 = arith.constant 0 : i32
    %c0_i32_0 = arith.constant 0 : i32
    %c0_i32_1 = arith.constant 0 : i32
    return %arg0, %c0_i32, %c0_i32_0 : i32, i32, i32
  }
  func.func @transform_3(%arg0: i32) -> (i32, i32, i32) {
    %c0_i32 = arith.constant 0 : i32
    %c0_i32_0 = arith.constant 0 : i32
    %c0_i32_1 = arith.constant 0 : i32
    return %arg0, %c0_i32, %c0_i32_0 : i32, i32, i32
  }
  func.func @transform_4(%arg0: i32) -> (i32, i32, i32) {
    %c0_i32 = arith.constant 0 : i32
    %c0_i32_0 = arith.constant 0 : i32
    %c0_i32_1 = arith.constant 0 : i32
    return %arg0, %c0_i32, %c0_i32_0 : i32, i32, i32
  }
  func.func @transform_5(%arg0: i32) -> (i32, i32, i32) {
    %c0_i32 = arith.constant 0 : i32
    %c0_i32_0 = arith.constant 0 : i32
    %c0_i32_1 = arith.constant 0 : i32
    return %arg0, %c0_i32, %c0_i32_0 : i32, i32, i32
  }
  func.func @transform_6(%arg0: i32) -> (i32, i32, i32) {
    %c0_i32 = arith.constant 0 : i32
    %c0_i32_0 = arith.constant 0 : i32
    %c0_i32_1 = arith.constant 0 : i32
    return %arg0, %c0_i32, %c0_i32_0 : i32, i32, i32
  }
  func.func @transform_7(%arg0: i32) -> (i32, i32) {
    %c0_i32 = arith.constant 0 : i32
    %c0_i32_0 = arith.constant 0 : i32
    return %arg0, %c0_i32 : i32, i32
  }
  func.func @transform_8(%arg0: i32) -> (i32, i32) {
    %c0_i32 = arith.constant 0 : i32
    %c0_i32_0 = arith.constant 0 : i32
    return %arg0, %c0_i32 : i32, i32
  }
  func.func @transform_9(%arg0: i32) -> (i32, i32) {
    %c0_i32 = arith.constant 0 : i32
    %c0_i32_0 = arith.constant 0 : i32
    return %arg0, %c0_i32 : i32, i32
  }
  func.func @transform_10(%arg0: i32) -> (i32, i32) {
    %c0_i32 = arith.constant 0 : i32
    %c0_i32_0 = arith.constant 0 : i32
    %c0_i32_1 = arith.constant 0 : i32
    return %c0_i32, %c0_i32_0 : i32, i32
  }
  func.func @transform_11(%arg0: i32) -> i32 {
    %c0_i32 = arith.constant 0 : i32
    %c0_i32_0 = arith.constant 0 : i32
    return %c0_i32 : i32
  }
}

</mosaic_0001>

<sc_bundles>
// kernel: kernel.5.cloned.1.call-start
scs
__scs_entry_jumppad:
0x0: {  	(pc) =	sbr.rel $0x88, $3  }
0x1: {  	(tag) =	ssettag $0x0;
	lr =	simm.s32 $0x1  }
0x2: {  	[smem:$0x3F9C] =	sst lr;
	_ =	strace $0xD0000000  }
0x3: {  	_ = 	snop  }
0x4: {  	_ = 	snop  }
0x5: {  	_ = 	snop  }
0x6: {  	_ = 	snop  }
0x7: {  	_ = 	snop  }
__scs_overlays_trampoline_lowered:
0x8: {  	[smem:$0x3FAB] =	sst s0  }
0x9: {  	[smem:$0x3FAC] =	sst s1  }
0xa: {  	[smem:$0x3FAD] =	sst s2  }
0xb: {  	[smem:$0x3FAE] =	sst s3  }
0xc: {  	[smem:$0x3FAF] =	sst s4  }
0xd: {  	[smem:$0x3FB0] =	sst s5  }
0xe: {  	[smem:$0x3FB1] =	sst s6  }
0xf: {  	[smem:$0x3FB2] =	sst s7  }
0x10: {  	[smem:$0x3FB3] =	sst s8  }
0x11: {  	[smem:$0x3FB4] =	sst s9;
	s0 =	simm.s32 @!p0 $0x0  }
0x12: {  	s1 =	sld [smem:$0x3F9A];
	s0 =	simm.s32 @p0 $0x1  }
0x13: {  	[smem:$0x3FB5] =	sst s0;
	s0 =	simm.s32 @!p1 $0x0  }
0x14: {  	s2 =	sld [smem:$0x3F99];
	s0 =	simm.s32 @p1 $0x1  }
0x15: {  	[smem:$0x3FB6] =	sst s0;
	s0 =	simm.s32 @!p2 $0x0  }
0x16: {  	s3 =	sld [smem:$0x3FDB];
	s0 =	simm.s32 @p2 $0x1  }
0x17: {  	s4 =	simm.s32 $0x1BF5;
	[smem:$0x3FB8] =	sst s0  }
0x18: {  	s0 =	sld [smem:$0x3F9B];
	_ =	swait.ge [sflag:s4], $0x0  }
0x19: {  	s7 =	sld [smem:$0x3F9C]  }
0x1a: {  	s8 =	sadd.s32 $0xFFFFE003, lr  }
0x1b: {  	s9 =	sadd.s32 $0xFFFFFEF7, lr;
	s5 =	simm.s32 $0xFFFFFFFF;
	p2 =	slt.u32 s8, $0xFFFFF086  }
0x1c: {  	p1 =	slt.u32 s9, $0xF7A;
	s5 =	simm.s32 @!p2 $0x0  }
0x1d: {  	s5 =	simm.s32 @p1 $0x1;
	p0 =	seq.s32 s7, s2  }
0x1e: {  	s7 =	smul.u32 @!p0 $0xF7A, s2;
	p2 =	seq.s32 @!p0 s5, $0x0  }
0x1f: {  	s9 =	smul.u32 $0xF7A, s1;
	s8 =	simm.s32 @!p0 $0x1BF5;
	p2 =	por !p2, p0  }
0x20: {  	[sflag:s8] =	ssyncset.s32 @!p0 $0xFFFFF086;
	s6 =	sadd.s32 @!p0 s3, s7;
	s7 =	simm.s32 @!p0 $0x108  }
0x21: {  	s3 =	sadd.s32 s3, s9;
	s6 =	sadd.s32 @!p0 $0x88, s6;
	s7 =	simm.s32 @p2 $0x1082  }
0x22: {  	[simem:s7], [sflag:s8] =	dma.local @!p0 [hbm:s6], $0xF7A  }
0x23: {  	s9 =	sor.u32 $0xD0000000, s2;
	s6 =	simm.s32 $0x108;
	_ =	swait.ge @!p0 [sflag:s8], $0x0  }
0x24: {  	s3 =	sadd.s32 $0x88, s3;
	s6 =	simm.s32 @!p1 $0x1082;
	[sflag:s4] =	ssyncset.s32 $0xFFFFF086  }
0x25: {  	[simem:s6], [sflag:s4] =	dma.local [hbm:s3], $0xF7A  }
0x26: {  	[smem:$0x3F9C] =	sst s1;
	(tag) =	ssettag s2;
	_ =	strace s9  }
0x27: {  	s1 =	sld [smem:$0x3FAC]  }
0x28: {  	s2 =	sld [smem:$0x3FAD]  }
0x29: {  	s4 =	sld [smem:$0x3FAF]  }
0x2a: {  	p0 =	seq.s32 s5, $0x0;
	s5 =	sld [smem:$0x3FB0]  }
0x2b: {  	s6 =	sld [smem:$0x3FB1]  }
0x2c: {  	s7 =	sld [smem:$0x3FB2]  }
0x2d: {  	s3 =	simm.s32 $0x108;
	s8 =	sld [smem:$0x3FB3]  }
0x2e: {  	s3 =	simm.s32 @!p0 $0x1082;
	s9 =	sld [smem:$0x3FB4]  }
0x2f: {  	lr =	sadd.s32 s0, s3;
	s0 =	sld [smem:$0x3FAB]  }
0x30: {  	s3 =	sld [smem:$0x3FAE]  }
0x31: {  	[smem:$0x3FB7] =	sst s10  }
0x32: {  	s10 =	sld [smem:$0x3FB5];
	_ =	sdelay $0x3  }
0x33: {  	p0 =	seq.s32 s10, $0x1;
	s10 =	sld [smem:$0x3FB7];
	_ =	sdelay $0x3  }
0x34: {  	[smem:$0x3FB7] =	sst s10  }
0x35: {  	s10 =	sld [smem:$0x3FB6];
	_ =	sdelay $0x3  }
0x36: {  	p1 =	seq.s32 s10, $0x1;
	s10 =	sld [smem:$0x3FB7];
	_ =	sdelay $0x3  }
0x37: {  	[smem:$0x3FB7] =	sst s10  }
0x38: {  	s10 =	sld [smem:$0x3FB8]  }
0x39: {  	_ = 	snop;
	(pc) =	sbr.ind lr, $3  }
0x3a: {  	_ = 	snop  }
0x3b: {  	_ = 	snop  }
0x3c: {  	p2 =	seq.s32 s10, $0x1;
	s10 =	sld [smem:$0x3FB7]  }
0x3d: {  	_ =	shalt  }
0x3e: {  	_ =	shalt  }
0x3f: {  	_ =	shalt  }
0x40: {  	_ =	shalt  }
0x41: {  	_ =	shalt  }
0x42: {  	_ =	shalt  }
0x43: {  	_ =	shalt  }
0x44: {  	_ =	shalt  }
0x45: {  	_ =	shalt  }
0x46: {  	_ =	shalt  }
0x47: {  	_ =	shalt  }
0x48: {  	_ =	shalt  }
0x49: {  	_ =	shalt  }
0x4a: {  	_ =	shalt  }
0x4b: {  	_ =	shalt  }
0x4c: {  	_ =	shalt  }
0x4d: {  	_ =	shalt  }
0x4e: {  	_ =	shalt  }
0x4f: {  	_ =	shalt  }
0x50: {  	_ =	shalt  }
0x51: {  	_ =	shalt  }
0x52: {  	_ =	shalt  }
0x53: {  	_ =	shalt  }
0x54: {  	_ =	shalt  }
0x55: {  	_ =	shalt  }
0x56: {  	_ =	shalt  }
0x57: {  	_ =	shalt  }
0x58: {  	_ =	shalt  }
0x59: {  	_ =	shalt  }
0x5a: {  	_ =	shalt  }
0x5b: {  	_ =	shalt  }
0x5c: {  	_ =	shalt  }
0x5d: {  	_ =	shalt  }
0x5e: {  	_ =	shalt  }
0x5f: {  	_ =	shalt  }
0x60: {  	_ =	shalt  }
0x61: {  	_ =	shalt  }
0x62: {  	_ =	shalt  }
0x63: {  	_ =	shalt  }
0x64: {  	_ =	shalt  }
0x65: {  	_ =	shalt  }
0x66: {  	_ =	shalt  }
0x67: {  	_ =	shalt  }
0x68: {  	_ =	shalt  }
0x69: {  	_ =	shalt  }
0x6a: {  	_ =	shalt  }
0x6b: {  	_ =	shalt  }
0x6c: {  	_ =	shalt  }
0x6d: {  	_ =	shalt  }
0x6e: {  	_ =	shalt  }
0x6f: {  	_ =	shalt  }
0x70: {  	_ =	shalt  }
0x71: {  	_ =	shalt  }
0x72: {  	_ =	shalt  }
0x73: {  	_ =	shalt  }
0x74: {  	_ =	shalt  }
0x75: {  	_ =	shalt  }
0x76: {  	_ =	shalt  }
0x77: {  	_ =	shalt  }
0x78: {  	_ =	shalt  }
0x79: {  	_ =	shalt  }
0x7a: {  	_ =	shalt  }
0x7b: {  	_ =	shalt  }
0x7c: {  	_ =	shalt  }
0x7d: {  	_ =	shalt  }
0x7e: {  	_ =	shalt  }
0x7f: {  	_ =	shalt  }
0x80: {  	_ =	shalt  }
0x81: {  	_ =	shalt  }
0x82: {  	_ =	shalt  }
0x83: {  	_ =	shalt  }
0x84: {  	_ =	shalt  }
0x85: {  	_ =	shalt  }
0x86: {  	_ =	shalt  }
0x87: {  	_ =	shalt  }
.Lfunc_end0:
.L_simem_size_0:
called_computation_lowered:
.L_overlay_start_0:
0x88: {  	s2 =	sld [smem:$0x3FD9]  }
0x89: {  	s3 =	sld [smem:$0x3FFE];
	_ =	sdelay $0x1  }
0x8a: {  	s1 =	srdreg.scid  }
0x8b: {  	s0 =	sand.u32 $0x1, s1  }
0x8c: {  	s16 =	sshll.u32 s0, $0xA;
	s2 =	sadd.s32 s3, s2  }
0x8d: {  	s2 =	sadd.s32 s2, s16  }
0x8e: {  	[smem:$0x3FC3] =	sst s2  }
0x8f: {  	_ = 	snop  }
0x90: {  	(tm) =	ssettm $0x1  }
0x91: {  	s17 =	sld [smem:$0x3FFB];
	_ =	sdelay $0x3  }
0x92: {  	_ =	strace s17  }
0x93: {  	s2 =	sld [smem:$0x3FFC];
	_ =	sdelay $0x3  }
0x94: {  	_ =	strace s2  }
0x95: {  	s2 =	sld [smem:$0x3FFD];
	_ =	sdelay $0x3  }
0x96: {  	_ =	strace s2  }
0x97: {  	_ =	strace $0x8FFFFFFF  }
0x98: {  	s18 =	sld [smem:$0x3FDB];
	_ =	sdelay $0x1  }
0x99: {  	s19 =	simm.s32 $_scs_section_size  }
0x9a: {  	s4 =	simm.s32 $_size__tile_overlayer_lowered;
	s5 =	simm.s32 $_tile_overlayer_lowered  }
0x9b: {  	s22 =	simm.s32 $0x1BFF;
	s21 =	sshll.u32 s5, $0x1;
	s2 =	sadd.s32 s19, s18  }
0x9c: {  	s6 =	simm.s32 $0x0;
	s20 =	sshll.u32 s4, $0x1;
	s4 =	sadd.s32 s21, s2  }
0x9d: {  	[timem:s6], [sflag:s22] =	dma.local [hbm:s4], s20  }
0x9e: {  	_ =	swait.ge [sflag:s22], s20  }
0x9f: {  	s3 =	ssub.s32 $0x0, s20;
	[sflag:s22] =	ssyncset.done $0x0  }
0xa0: {  	[sflag:s22] =	ssyncadd.s32 s3;
	_ =	sdelay $0x1  }
0xa1: {  	s23 =	simm.s32 $0x1B8B  }
0xa2: {  	_ =	swait.ge [sflag:s23], $0x1  }
0xa3: {  	[sflag:s23] =	ssyncset.done $0x0  }
0xa4: {  	s25 =	simm.s32 $0x1B8E;
	s24 =	sld [smem:$0x3FFE];
	[sflag:s23] =	ssyncadd.s32 $0xFFFFFFFF  }
0xa5: {  	s26 =	simm.s32 $execute0_lowered;
	[smem:$0x3FD2] =	sst s25  }
0xa6: {  	s4 =	sshll.u32 s26, $0x1;
	_ =	strace $0x80000046;
	[dreg:$0x1] =	wrdreg $0xFFFFFFFF  }
0xa7: {  	s28 =	simm.s32 $_size_execute0_lowered;
	s2 =	sadd.s32 s2, s4;
	[dreg:$0x0] =	wrdreg $0x0  }
0xa8: {  	s4 =	sshll.u32 s28, $0x1;
	[dreg:$0x2] =	wrdreg s2  }
0xa9: {  	[dreg:$0x3] =	wrdreg s4  }
0xaa: {  	[dreg:$0x4] =	wrdreg $0xC0  }
0xab: {  	_ =	task [dreg:s6], $0x5FFFF  }
0xac: {  	[dreg:$0x1] =	wrdreg $0xFFFFFFFF  }
0xad: {  	[dreg:$0x0] =	wrdreg $0x60  }
0xae: {  	[dreg:$0x2] =	wrdreg s24  }
0xaf: {  	[dreg:$0x3] =	wrdreg $0x9  }
0xb0: {  	_ =	task.clear_ibuf [dreg:s6], $0x4FFFF;
	_ =	strace $0x90000046  }
0xb1: {  	s29 =	simm.s32 $0x9;
	_ =	strace $0x80000048  }
0xb2: {  	_ =	swait.ge [sflag:s29], $0x1  }
0xb3: {  	[sflag:s29] =	ssyncadd.s32 $0xFFFFFFFF  }
0xb4: {  	_ =	strace $0x90000048  }
0xb5: {  	_ =	sfence  }
0xb6: {  	s30 =	sld [smem:$0x0];
	_ =	sdelay $0x2  }
0xb7: {  	s31 =	sshll.u32 s1, $0xD;
	s1 =	sshrl.u32 s1, $0x2  }
0xb8: {  	s3 =	sand.u32 $0x4000, s31;
	s1 =	sadd.s32 s1, s30  }
0xb9: {  	s0 =	sor.u32 s3, s0;
	s1 =	sshll.u32 s1, $0x11  }
0xba: {  	s0 =	sor.u32 s1, s0  }
0xbb: {  	s0 =	sadd.s32 $0x8F2B, s0  }
0xbc: {  	[sflag:s0] =	ssyncadd.remote.s32 $0x1  }
0xbd: {  	_ =	sfence.sel $0xFFFF  }
0xbe: {  	[dreg:$0x0] =	wrdreg $0xFFFFFFFF;
	(pc) =	sbr.abs _section_cstart, $3  }
0xbf: {  	[dreg:$0x1] =	wrdreg $0xFFFFFFFF  }
0xc0: {  	_ =	task.clear_ibuf [dreg:s6], $0x2FFFF;
	_ =	strace $0x9FFFFFFF  }
0xc1: {  	(tm) =	ssettm $0x7FFFFFFF  }
tec
execute0_lowered:
.L_overlay_start_1:
0x0: {  	(tag) =	ssettag $0x1  }
0x1: {  	s1 =	srdreg.scid  }
0x2: {  	s0 =	stileid.u32;
	s9 =	rddreg [dreg:$0x0];
	s6 =	sand.u32 $0x1, s1  }
0x3: {  	s7 =	simm.s32 $0x80;
	s30 =	sshll.u32 s0, $0x7;
	s2 =	sshll.u32 s6, $0x6  }
0x4: {  	s8 =	simm.s32 $0x1;
	s1 =	rddreg [dreg:$0x1];
	s10 =	sor.u32 s2, s30  }
0x5: {  	s5 =	sadd.s32 $0x409800, s9;
	s2 =	simm.s32 $0x0;
	s3 =	sshrl.u32 s10, $0x3  }
0x6: {  	s11 =	ssub.s32 $0x2, s6;
	[smem:$0x7FF] =	sst s2;
	s3 =	sadd.s32 s3, s9  }
0x7: {  	_ =	strace $0x80000047;
	s4 =	sadd.s32 $0x9600, s3;
	s3 =	simm.s32 $0x2  }
0x8: {  	[tilespmem:s2], [sflag:$0x2] =	stream.linear.gather [hbm4b:s4+s2], $0x40, $0x38;
	[tilespmem:$0x2080] =	vst v63  }
0x9: {  	s6 =	simm.s32 $0x40;
	s12 =	sshrl.u32 s11, $0x1;
	_ =	swait.ge [sflag:s3], $0x40  }
0xa: {  	s10 =	sshll.u32 s10, $0x4;
	s31 =	ssub.s32 s11, s12;
	[sflag:s3] =	ssyncset.done $0x0  }
0xb: {  	s9 =	sadd.s32 s10, s9;
	s10 =	smax.u32 s31, $0x1;
	[sflag:s3] =	ssyncadd.s32 $0xFFFFFFC0  }
0xc: {  	[tilespmem:s7], [sflag:$0x1] =	stream.indirect.gather [hbm4b:s5+s6], $0x80, s2, s6, $0xb8;
	[tilespmem:$0x2080] =	vst v63  }
0xd: {  	p0 =	sne.s32 s10, $0x1;
	_ =	swait.ge [sflag:s8], $0x2000  }
.Ltmp0:
0xe: {  	[sflag:s8] =	ssyncset.done $0x0;
	(pc) =	sbr.rel @!p0 .LBB2_2-.Ltmp0, $4  }
0xf: {  	s9 =	sadd.s32 $0x9800, s9;
	[sflag:s8] =	ssyncadd.s32 $0xFFFFE000  }
0x10: {  	[hbm4b:s9+s2] =	stream.linear.scatter [tilespmem:s7], [sflag:$0x2], $0x2000, $0x38;
	[tilespmem:$0x2080] =	vst v63  }
0x11: {  	_ =	swait.ge [sflag:s3], $0x2000  }
0x12: {  	s10 =	sadd.s32 $0xFFFFFFFF, s10;
	[sflag:s3] =	ssyncset.done $0x0  }
.LBB2_1:
0x13: {  	p0 =	sne.s32 s10, $0x1;
	s10 =	sadd.s32 $0xFFFFFFFF, s10;
	[sflag:s3] =	ssyncadd.s32 $0xFFFFE000  }
0x14: {  	[tilespmem:s2], [sflag:$0x2] =	stream.linear.gather [hbm4b:s4+s2], $0x40, $0x38;
	[tilespmem:$0x2080] =	vst v63  }
0x15: {  	_ =	swait.ge [sflag:s3], $0x40  }
0x16: {  	[sflag:s3] =	ssyncset.done $0x0  }
0x17: {  	[sflag:s3] =	ssyncadd.s32 $0xFFFFFFC0  }
0x18: {  	[tilespmem:s7], [sflag:$0x1] =	stream.indirect.gather [hbm4b:s5+s6], $0x80, s2, s6, $0xb8;
	[tilespmem:$0x2080] =	vst v63  }
0x19: {  	_ =	swait.ge [sflag:s8], $0x2000  }
.Ltmp1:
0x1a: {  	[sflag:s8] =	ssyncset.done $0x0;
	(pc) =	sbr.rel @p0 .LBB2_1-.Ltmp1, $4  }
0x1b: {  	[sflag:s8] =	ssyncadd.s32 $0xFFFFE000  }
0x1c: {  	[hbm4b:s9+s2] =	stream.linear.scatter [tilespmem:s7], [sflag:$0x2], $0x2000, $0x38;
	[tilespmem:$0x2080] =	vst v63  }
0x1d: {  	_ =	swait.ge [sflag:s3], $0x2000  }
0x1e: {  	[sflag:s3] =	ssyncset.done $0x0  }
.LBB2_2:
0x1f: {  	[sflag:s3] =	ssyncadd.s32 $0xFFFFE000  }
0x20: {  	_ =	sfence.sel $0x180000  }
0x21: {  	[bflag:$0x0] =	sbarrier.arrive $0xFFFF  }
0x22: {  	p0 =	sne.s32 s0, $0x0;
	_ =	strace $0x90000047  }
0x23: {  	s0 =	sadd.s32 @!p0 $0x100000, s1;
	[bflag:$0x2] =	sbarrier.arrive $0xFFFF  }
0x24: {  	[sflag:s0] =	ssyncadd.tile.s32 @!p0 $0x1;
	_ =	shalt  }
.Lfunc_end2:
_tile_overlayer_lowered:
.L_overlay_start_2:
0x25: {  	(tag) =	ssettag $0x2  }
0x26: {  	s0 =	rddreg [dreg:$0x0];
	s2 =	stileid.u32  }
0x27: {  	s1 =	rddreg [dreg:$0x1];
	p0 =	sne.s32 s2, $0x0  }
0x28: {  	s3 =	rddreg [dreg:$0x2];
	[bflag:$0x3] =	sbarrier.arrive $0xFFFF;
	s2 =	simm.s32 @!p0 $0x1C02  }
0x29: {  	[timem:s3], [sflag:s2] =	dma.local @!p0 [hbm:s0], s1  }
0x2a: {  	s0 =	simm.s32 @!p0 $0x2  }
0x2b: {  	_ =	swait.ge @!p0 [sflag:s0], s1  }
0x2c: {  	s1 =	ssub.s32 @!p0 $0x0, s1;
	[sflag:s0] =	ssyncset.done @!p0 $0x0  }
0x2d: {  	[sflag:s0] =	ssyncadd.s32 @!p0 s1  }
0x2e: {  	[bflag:$0x3] =	sbarrier.arrive $0xFFFF  }
0x2f: {  	_ =	shalt  }

</sc_bundles>
